<compile_context>
chip_gen: v7x
topology: tpu7x:2x2x1
jax: 0.10.2.dev20260603
libtpu: 0.0.44.dev20260713+nightly
codegen_flags: <defaults>
</compile_context>

<pallas_src>
import functools

import jax
import jax.numpy as jnp
from jax import lax
from jax.experimental import pallas as pl
from jax.experimental.pallas import tpu as pltpu
from jax.experimental.pallas import tpu_sc as plsc

_COMMITMENT_COST = 1.0
_DIVERSITY_WEIGHT = 0.1


def _tree8(a):
    t1 = a[0:1, :] + a[4:5, :]
    t2 = a[2:3, :] + a[6:7, :]
    t3 = a[1:2, :] + a[5:6, :]
    t4 = a[3:4, :] + a[7:8, :]
    return (t1 + t2) + (t3 + t4)


def _rowsum(x):
    c = x.shape[1]
    t = x.T
    acc = t[0:8, :]
    for i in range(1, c // 8):
        acc = acc + t[8 * i:8 * i + 8, :]
    return _tree8(acc)


def _colsum_block(x):
    g = x[0:128, :]
    for cc in range(1, 8):
        g = g + x[128 * cc:128 * cc + 128, :]
    acc = g[0:8, :]
    for lt in range(1, 16):
        acc = acc + g[8 * lt:8 * lt + 8, :]
    return _tree8(acc)


def _tc_body(ngrid, z_ref, cb_ref, idx_ref, ps_ref, mse_ref,
             cbn_ref, cn2n_ref, wsel_ref, msa_ref):
    pid = pl.program_id(0)
    k = cb_ref.shape[0]

    @pl.when(pid == 0)
    def _init():
        cbm = cb_ref[...]
        craw2 = _rowsum(cbm * cbm)
        cbn = cbm / jnp.maximum(jnp.sqrt(craw2.T), 1e-12)
        cbn_ref[...] = cbn
        cn2n = _rowsum(cbn * cbn)
        cn2n_ref[...] = cn2n
        iot = lax.broadcasted_iota(jnp.int32, (k, 1), 0)
        hi = (iot // 32).astype(jnp.float32)
        lo = (iot % 32).astype(jnp.float32)
        pad = jnp.zeros((k, 4), jnp.float32)
        wsel_ref[...] = jnp.concatenate([hi, lo, craw2.T, cn2n.T, pad],
                                        axis=1)
        msa_ref[0] = 0.0

    z = z_ref[...]
    r = z.shape[0]
    ze2 = _rowsum(z * z).T
    zen = jnp.sqrt(ze2)
    zn = z / jnp.maximum(zen, 1e-12)
    zn2 = _rowsum(zn * zn).T

    s = lax.dot_general(zn, cbn_ref[...], (((1,), (1,)), ((), ())),
                        preferred_element_type=jnp.float32)
    d = (zn2 + cn2n_ref[...]) - 2.0 * s

    m = jnp.min(d, axis=1, keepdims=True)
    sel = jnp.where(d == m, 1.0, 0.0)
    g = lax.dot_general(sel, wsel_ref[...], (((1,), (0,)), ((), ())),
                        preferred_element_type=jnp.float32)
    idxf = g[:, 0:1] * 32.0 + g[:, 1:2]
    idx = jnp.minimum(idxf, jnp.float32(k - 1)).astype(jnp.int32)
    idx_ref[0, 0, :] = idx[:, 0]

    c2_sel = g[:, 2:3]
    cn2n_sel = g[:, 3:4]
    s_sel = ((zn2 + cn2n_sel) - m) * 0.5
    mse_rows = (ze2 - 2.0 * zen * jnp.sqrt(c2_sel) * s_sel) + c2_sel
    msa_ref[0] += jnp.sum(mse_rows)

    e = jnp.exp(m - d)
    srow = _rowsum(e)
    p = e / srow.T
    t = _colsum_block(p)

    @pl.when(pid == 0)
    def _first():
        ps_ref[...] = t

    @pl.when(pid != 0)
    def _acc():
        ps_ref[...] = ps_ref[...] + t

    @pl.when(pid == ngrid - 1)
    def _fin():
        mse_ref[0, 0] = msa_ref[0]


def _tc_forward(z_e, codebook, block_rows=1024):
    n, dim = z_e.shape
    k = codebook.shape[0]
    ngrid = n // block_rows
    f32 = jnp.float32
    return pl.pallas_call(
        functools.partial(_tc_body, ngrid),
        grid=(ngrid,),
        in_specs=[
            pl.BlockSpec((block_rows, dim), lambda i: (i, 0)),
            pl.BlockSpec((k, dim), lambda i: (0, 0)),
        ],
        out_specs=[
            pl.BlockSpec((1, 1, block_rows), lambda i: (i, 0, 0)),
            pl.BlockSpec((1, k), lambda i: (0, 0)),
            pl.BlockSpec((1, 1), lambda i: (0, 0), memory_space=pltpu.SMEM),
        ],
        out_shape=[
            jax.ShapeDtypeStruct((ngrid, 1, block_rows), jnp.int32),
            jax.ShapeDtypeStruct((1, k), f32),
            jax.ShapeDtypeStruct((1, 1), f32),
        ],
        scratch_shapes=[
            pltpu.VMEM((k, dim), f32),
            pltpu.VMEM((1, k), f32),
            pltpu.VMEM((k, 8), f32),
            pltpu.SMEM((1,), f32),
        ],
    )(z_e, codebook)


def _sc_gather(codebook, idx):
    n = idx.shape[0]
    dim = codebook.shape[1]
    info = plsc.get_sparse_core_info()
    nw = info.num_cores * info.num_subcores
    b_per_w = n // nw
    chunk = 512
    nchunk = b_per_w // chunk
    mesh = plsc.VectorSubcoreMesh(core_axis_name="c", subcore_axis_name="s")

    @functools.partial(
        pl.kernel, mesh=mesh,
        out_type=jax.ShapeDtypeStruct((n, dim), jnp.float32),
        scratch_types=[
            pltpu.VMEM((chunk,), jnp.int32),
            pltpu.VMEM((chunk, dim), jnp.float32),
            pltpu.SemaphoreType.DMA,
        ],
    )
    def gather(cb_hbm, idx_hbm, out_hbm, idx_v, rows_v, sem):
        wid = lax.axis_index("s") * info.num_cores + lax.axis_index("c")
        base = wid * b_per_w
        for t in range(nchunk):
            off = base + t * chunk
            pltpu.sync_copy(idx_hbm.at[pl.ds(off, chunk)], idx_v)
            pltpu.async_copy(cb_hbm.at[idx_v], rows_v, sem).wait()
            pltpu.sync_copy(rows_v, out_hbm.at[pl.ds(off, chunk)])

    return gather(codebook, idx)


def kernel(z_e, codebook):
    n, dim = z_e.shape
    k = codebook.shape[0]
    idx3, psum, msesum = _tc_forward(z_e, codebook)
    idx = idx3.reshape(-1)
    z_q = _sc_gather(codebook, idx)

    avg = psum[0] / jnp.float32(n)
    entropy = -jnp.sum(avg * jnp.log(avg + 1e-10))
    diversity = jnp.log(jnp.float32(k)) - entropy
    mse_mean = msesum[0, 0] / jnp.float32(n * dim)
    vq = (1.0 + _COMMITMENT_COST) * mse_mean
    total = vq + _DIVERSITY_WEIGHT * diversity
    return (z_q, vq, diversity, total, idx)

# --- scband reference (transcript-rebuilt; emitter-appended) ---
"""Pipeline reference for scband-vector-quantizer-61418032332822 (READ-ONLY COPY).

The authoritative reference and input builder live on the scoring server;
editing this copy changes nothing except your own understanding.
"""

import jax, jax.numpy as jnp
import numpy as np

NUM_EMBEDDINGS = 1024
EMBEDDING_DIM = 128
COMMITMENT_COST = 1.0
DIVERSITY_WEIGHT = 0.1


def _normalize(x):
    n = jnp.linalg.norm(x, axis=-1, keepdims=True)
    return x / jnp.maximum(n, 1e-12)


def setup_inputs(seed: int = 0) -> dict:
    key = jax.random.key(seed)
    k1, k2 = jax.random.split(key)
    z_e = jax.random.normal(k1, (65536, EMBEDDING_DIM), dtype=jnp.float32)
    codebook = jax.random.uniform(
        k2, (NUM_EMBEDDINGS, EMBEDDING_DIM),
        minval=-1.0 / NUM_EMBEDDINGS, maxval=1.0 / NUM_EMBEDDINGS,
        dtype=jnp.float32)
    return {"z_e": z_e, "codebook": codebook}


def reference(z_e, codebook):
    # eval-mode forward (EMA / dead-code reset are training-only buffer updates)
    z_n = _normalize(z_e)
    cb_n = _normalize(codebook)
    distances = (jnp.sum(z_n ** 2, axis=1, keepdims=True)
                 + jnp.sum(cb_n ** 2, axis=1)
                 - 2.0 * (z_n @ cb_n.T))
    encoding_indices = jnp.argmin(distances, axis=1)
    z_q = jnp.take(codebook, encoding_indices, axis=0)

    codebook_loss = jnp.mean((jax.lax.stop_gradient(z_q) - z_e) ** 2)
    commitment_loss = jnp.mean((z_q - jax.lax.stop_gradient(z_e)) ** 2)
    vq_loss = codebook_loss + COMMITMENT_COST * commitment_loss

    soft_assign = jax.nn.softmax(-distances, axis=-1)
    avg_probs = jnp.mean(soft_assign, axis=0)
    entropy = -jnp.sum(avg_probs * jnp.log(avg_probs + 1e-10))
    max_entropy = jnp.log(jnp.float32(NUM_EMBEDDINGS))
    diversity_loss = max_entropy - entropy

    total_vq_loss = vq_loss + DIVERSITY_WEIGHT * diversity_loss

    # straight-through estimator
    z_q_st = z_e + jax.lax.stop_gradient(z_q - z_e)
    return (z_q_st, vq_loss, diversity_loss, total_vq_loss, encoding_indices)

if __name__ == "__main__":
    import jax
    _d = setup_inputs()
    print(jax.jit(kernel)(*tuple(_d.values())))

</pallas_src>

<mosaic_0001>
#map = affine_map<(d0, d1) -> (0, 0)>
#map1 = affine_map<(d0, d1) -> (0)>
module attributes {stable_mosaic.version = 14 : i64} {
  func.func @gather(%arg0: i32, %arg1: i32, %arg2: memref<1024x128xf32, #tpu.memory_space<hbm>>, %arg3: memref<65536xi32, #tpu.memory_space<hbm>>, %arg4: memref<65536x128xf32, #tpu.memory_space<hbm>>, %arg5: memref<512xi32, #tpu.memory_space<vmem>>, %arg6: memref<512x128xf32, #tpu.memory_space<vmem>>, %arg7: memref<!tpu.dma_semaphore, #tpu.memory_space<semaphore_mem>>) attributes {dimension_semantics = [#tpu.dimension_semantics<core_parallel>, #tpu.dimension_semantics<subcore_parallel>], iteration_bounds = array<i64: 2, 16>, scalar_prefetch = 0 : i64, scratch_operands = 3 : i64, tpu.core_type = #tpu.core_type<sc_vector_subcore>, window_params = [{transform_indices = #map}, {transform_indices = #map1}, {transform_indices = #map}]} {
    %mul3A = arith.constant 2 : i32
    %mul3A_0 = arith.muli %arg1, %mul3A : i32
    %add3A = arith.addi %mul3A_0, %arg0 : i32
    %mul3A_1 = arith.constant 2048 : i32
    %mul3A_2 = arith.muli %add3A, %mul3A_1 : i32
    %add3A_3 = arith.constant 0 : i32
    %add3A_4 = arith.addi %mul3A_2, %add3A_3 : i32
    "tpu.region"() ({
      %run_scoped3A = tpu.sem_alloc : memref<!tpu.dma_semaphore, #tpu.memory_space<semaphore_mem>>
      %dma_start3A_33 = tpu.memref_slice %arg3[%add3A_4] : memref<65536xi32, #tpu.memory_space<hbm>> -> memref<512xi32, #tpu.memory_space<hbm>>
      %dma_start3A_34 = tpu.memref_slice %arg3[%add3A_4] : memref<65536xi32, #tpu.memory_space<hbm>> -> memref<512xi32, #tpu.memory_space<hbm>>
      tpu.enqueue_dma source(%dma_start3A_34 : memref<512xi32, #tpu.memory_space<hbm>>) target(%arg5 : memref<512xi32, #tpu.memory_space<vmem>>) target_semaphore(%run_scoped3A : memref<!tpu.dma_semaphore, #tpu.memory_space<semaphore_mem>>)
      %dma_wait3A_35 = tpu.memref_slice %arg3[%add3A_4] : memref<65536xi32, #tpu.memory_space<hbm>> -> memref<512xi32, #tpu.memory_space<hbm>>
      %dma_wait3A_36 = tpu.memref_slice %arg3[%add3A_4] : memref<65536xi32, #tpu.memory_space<hbm>> -> memref<512xi32, #tpu.memory_space<hbm>>
      tpu.wait_dma2 semaphore(%run_scoped3A : memref<!tpu.dma_semaphore, #tpu.memory_space<semaphore_mem>>) src(%dma_wait3A_36 : memref<512xi32, #tpu.memory_space<hbm>>) dst(%arg5 : memref<512xi32, #tpu.memory_space<vmem>>)
      tpu.yield
    }) : () -> ()
    %dma_start3A = arith.constant 0 : i32
    %dma_start3A_5 = arith.constant 0 : i32
    %dma_start3A_6 = tpu.memref_slice %arg2[%dma_start3A, %dma_start3A_5] : memref<1024x128xf32, #tpu.memory_space<hbm>> -> memref<1024x128xf32, #tpu.memory_space<hbm>>
    tpu.enqueue_indirect_dma source(%dma_start3A_6 : memref<1024x128xf32, #tpu.memory_space<hbm>>) target(%arg6 : memref<512x128xf32, #tpu.memory_space<vmem>>) offsets(%arg5 : memref<512xi32, #tpu.memory_space<vmem>>) semaphore(%arg7 : memref<!tpu.dma_semaphore, #tpu.memory_space<semaphore_mem>>)
    %dma_wait3A = arith.constant 0 : i32
    %dma_wait3A_7 = arith.constant 0 : i32
    %dma_wait3A_8 = tpu.memref_slice %arg2[%dma_wait3A, %dma_wait3A_7] : memref<1024x128xf32, #tpu.memory_space<hbm>> -> memref<1024x128xf32, #tpu.memory_space<hbm>>
    tpu.wait_indirect_dma semaphore(%arg7 : memref<!tpu.dma_semaphore, #tpu.memory_space<semaphore_mem>>) src(%dma_wait3A_8 : memref<1024x128xf32, #tpu.memory_space<hbm>>) dst(%arg6 : memref<512x128xf32, #tpu.memory_space<vmem>>)
    "tpu.region"() ({
      %run_scoped3A = tpu.sem_alloc : memref<!tpu.dma_semaphore, #tpu.memory_space<semaphore_mem>>
      %dma_start3A_33 = arith.constant 0 : i32
      %dma_start3A_34 = tpu.memref_slice %arg4[%add3A_4, %dma_start3A_33] : memref<65536x128xf32, #tpu.memory_space<hbm>> -> memref<512x128xf32, #tpu.memory_space<hbm>>
      %dma_start3A_35 = arith.constant 0 : i32
      %dma_start3A_36 = tpu.memref_slice %arg4[%add3A_4, %dma_start3A_35] : memref<65536x128xf32, #tpu.memory_space<hbm>> -> memref<512x128xf32, #tpu.memory_space<hbm>>
      tpu.enqueue_dma source(%arg6 : memref<512x128xf32, #tpu.memory_space<vmem>>) target(%dma_start3A_36 : memref<512x128xf32, #tpu.memory_space<hbm>>) target_semaphore(%run_scoped3A : memref<!tpu.dma_semaphore, #tpu.memory_space<semaphore_mem>>)
      %dma_wait3A_37 = arith.constant 0 : i32
      %dma_wait3A_38 = tpu.memref_slice %arg4[%add3A_4, %dma_wait3A_37] : memref<65536x128xf32, #tpu.memory_space<hbm>> -> memref<512x128xf32, #tpu.memory_space<hbm>>
      %dma_wait3A_39 = arith.constant 0 : i32
      %dma_wait3A_40 = tpu.memref_slice %arg4[%add3A_4, %dma_wait3A_39] : memref<65536x128xf32, #tpu.memory_space<hbm>> -> memref<512x128xf32, #tpu.memory_space<hbm>>
      tpu.wait_dma2 semaphore(%run_scoped3A : memref<!tpu.dma_semaphore, #tpu.memory_space<semaphore_mem>>) src(%arg6 : memref<512x128xf32, #tpu.memory_space<vmem>>) dst(%dma_wait3A_40 : memref<512x128xf32, #tpu.memory_space<hbm>>)
      tpu.yield
    }) : () -> ()
    %add3A_9 = arith.constant 512 : i32
    %add3A_10 = arith.addi %mul3A_2, %add3A_9 : i32
    "tpu.region"() ({
      %run_scoped3A = tpu.sem_alloc : memref<!tpu.dma_semaphore, #tpu.memory_space<semaphore_mem>>
      %dma_start3A_33 = tpu.memref_slice %arg3[%add3A_10] : memref<65536xi32, #tpu.memory_space<hbm>> -> memref<512xi32, #tpu.memory_space<hbm>>
      %dma_start3A_34 = tpu.memref_slice %arg3[%add3A_10] : memref<65536xi32, #tpu.memory_space<hbm>> -> memref<512xi32, #tpu.memory_space<hbm>>
      tpu.enqueue_dma source(%dma_start3A_34 : memref<512xi32, #tpu.memory_space<hbm>>) target(%arg5 : memref<512xi32, #tpu.memory_space<vmem>>) target_semaphore(%run_scoped3A : memref<!tpu.dma_semaphore, #tpu.memory_space<semaphore_mem>>)
      %dma_wait3A_35 = tpu.memref_slice %arg3[%add3A_10] : memref<65536xi32, #tpu.memory_space<hbm>> -> memref<512xi32, #tpu.memory_space<hbm>>
      %dma_wait3A_36 = tpu.memref_slice %arg3[%add3A_10] : memref<65536xi32, #tpu.memory_space<hbm>> -> memref<512xi32, #tpu.memory_space<hbm>>
      tpu.wait_dma2 semaphore(%run_scoped3A : memref<!tpu.dma_semaphore, #tpu.memory_space<semaphore_mem>>) src(%dma_wait3A_36 : memref<512xi32, #tpu.memory_space<hbm>>) dst(%arg5 : memref<512xi32, #tpu.memory_space<vmem>>)
      tpu.yield
    }) : () -> ()
    %dma_start3A_11 = arith.constant 0 : i32
    %dma_start3A_12 = arith.constant 0 : i32
    %dma_start3A_13 = tpu.memref_slice %arg2[%dma_start3A_11, %dma_start3A_12] : memref<1024x128xf32, #tpu.memory_space<hbm>> -> memref<1024x128xf32, #tpu.memory_space<hbm>>
    tpu.enqueue_indirect_dma source(%dma_start3A_13 : memref<1024x128xf32, #tpu.memory_space<hbm>>) target(%arg6 : memref<512x128xf32, #tpu.memory_space<vmem>>) offsets(%arg5 : memref<512xi32, #tpu.memory_space<vmem>>) semaphore(%arg7 : memref<!tpu.dma_semaphore, #tpu.memory_space<semaphore_mem>>)
    %dma_wait3A_14 = arith.constant 0 : i32
    %dma_wait3A_15 = arith.constant 0 : i32
    %dma_wait3A_16 = tpu.memref_slice %arg2[%dma_wait3A_14, %dma_wait3A_15] : memref<1024x128xf32, #tpu.memory_space<hbm>> -> memref<1024x128xf32, #tpu.memory_space<hbm>>
    tpu.wait_indirect_dma semaphore(%arg7 : memref<!tpu.dma_semaphore, #tpu.memory_space<semaphore_mem>>) src(%dma_wait3A_16 : memref<1024x128xf32, #tpu.memory_space<hbm>>) dst(%arg6 : memref<512x128xf32, #tpu.memory_space<vmem>>)
    "tpu.region"() ({
      %run_scoped3A = tpu.sem_alloc : memref<!tpu.dma_semaphore, #tpu.memory_space<semaphore_mem>>
      %dma_start3A_33 = arith.constant 0 : i32
      %dma_start3A_34 = tpu.memref_slice %arg4[%add3A_10, %dma_start3A_33] : memref<65536x128xf32, #tpu.memory_space<hbm>> -> memref<512x128xf32, #tpu.memory_space<hbm>>
      %dma_start3A_35 = arith.constant 0 : i32
      %dma_start3A_36 = tpu.memref_slice %arg4[%add3A_10, %dma_start3A_35] : memref<65536x128xf32, #tpu.memory_space<hbm>> -> memref<512x128xf32, #tpu.memory_space<hbm>>
      tpu.enqueue_dma source(%arg6 : memref<512x128xf32, #tpu.memory_space<vmem>>) target(%dma_start3A_36 : memref<512x128xf32, #tpu.memory_space<hbm>>) target_semaphore(%run_scoped3A : memref<!tpu.dma_semaphore, #tpu.memory_space<semaphore_mem>>)
      %dma_wait3A_37 = arith.constant 0 : i32
      %dma_wait3A_38 = tpu.memref_slice %arg4[%add3A_10, %dma_wait3A_37] : memref<65536x128xf32, #tpu.memory_space<hbm>> -> memref<512x128xf32, #tpu.memory_space<hbm>>
      %dma_wait3A_39 = arith.constant 0 : i32
      %dma_wait3A_40 = tpu.memref_slice %arg4[%add3A_10, %dma_wait3A_39] : memref<65536x128xf32, #tpu.memory_space<hbm>> -> memref<512x128xf32, #tpu.memory_space<hbm>>
      tpu.wait_dma2 semaphore(%run_scoped3A : memref<!tpu.dma_semaphore, #tpu.memory_space<semaphore_mem>>) src(%arg6 : memref<512x128xf32, #tpu.memory_space<vmem>>) dst(%dma_wait3A_40 : memref<512x128xf32, #tpu.memory_space<hbm>>)
      tpu.yield
    }) : () -> ()
    %add3A_17 = arith.constant 1024 : i32
    %add3A_18 = arith.addi %mul3A_2, %add3A_17 : i32
    "tpu.region"() ({
      %run_scoped3A = tpu.sem_alloc : memref<!tpu.dma_semaphore, #tpu.memory_space<semaphore_mem>>
      %dma_start3A_33 = tpu.memref_slice %arg3[%add3A_18] : memref<65536xi32, #tpu.memory_space<hbm>> -> memref<512xi32, #tpu.memory_space<hbm>>
      %dma_start3A_34 = tpu.memref_slice %arg3[%add3A_18] : memref<65536xi32, #tpu.memory_space<hbm>> -> memref<512xi32, #tpu.memory_space<hbm>>
      tpu.enqueue_dma source(%dma_start3A_34 : memref<512xi32, #tpu.memory_space<hbm>>) target(%arg5 : memref<512xi32, #tpu.memory_space<vmem>>) target_semaphore(%run_scoped3A : memref<!tpu.dma_semaphore, #tpu.memory_space<semaphore_mem>>)
      %dma_wait3A_35 = tpu.memref_slice %arg3[%add3A_18] : memref<65536xi32, #tpu.memory_space<hbm>> -> memref<512xi32, #tpu.memory_space<hbm>>
      %dma_wait3A_36 = tpu.memref_slice %arg3[%add3A_18] : memref<65536xi32, #tpu.memory_space<hbm>> -> memref<512xi32, #tpu.memory_space<hbm>>
      tpu.wait_dma2 semaphore(%run_scoped3A : memref<!tpu.dma_semaphore, #tpu.memory_space<semaphore_mem>>) src(%dma_wait3A_36 : memref<512xi32, #tpu.memory_space<hbm>>) dst(%arg5 : memref<512xi32, #tpu.memory_space<vmem>>)
      tpu.yield
    }) : () -> ()
    %dma_start3A_19 = arith.constant 0 : i32
    %dma_start3A_20 = arith.constant 0 : i32
    %dma_start3A_21 = tpu.memref_slice %arg2[%dma_start3A_19, %dma_start3A_20] : memref<1024x128xf32, #tpu.memory_space<hbm>> -> memref<1024x128xf32, #tpu.memory_space<hbm>>
    tpu.enqueue_indirect_dma source(%dma_start3A_21 : memref<1024x128xf32, #tpu.memory_space<hbm>>) target(%arg6 : memref<512x128xf32, #tpu.memory_space<vmem>>) offsets(%arg5 : memref<512xi32, #tpu.memory_space<vmem>>) semaphore(%arg7 : memref<!tpu.dma_semaphore, #tpu.memory_space<semaphore_mem>>)
    %dma_wait3A_22 = arith.constant 0 : i32
    %dma_wait3A_23 = arith.constant 0 : i32
    %dma_wait3A_24 = tpu.memref_slice %arg2[%dma_wait3A_22, %dma_wait3A_23] : memref<1024x128xf32, #tpu.memory_space<hbm>> -> memref<1024x128xf32, #tpu.memory_space<hbm>>
    tpu.wait_indirect_dma semaphore(%arg7 : memref<!tpu.dma_semaphore, #tpu.memory_space<semaphore_mem>>) src(%dma_wait3A_24 : memref<1024x128xf32, #tpu.memory_space<hbm>>) dst(%arg6 : memref<512x128xf32, #tpu.memory_space<vmem>>)
    "tpu.region"() ({
      %run_scoped3A = tpu.sem_alloc : memref<!tpu.dma_semaphore, #tpu.memory_space<semaphore_mem>>
      %dma_start3A_33 = arith.constant 0 : i32
      %dma_start3A_34 = tpu.memref_slice %arg4[%add3A_18, %dma_start3A_33] : memref<65536x128xf32, #tpu.memory_space<hbm>> -> memref<512x128xf32, #tpu.memory_space<hbm>>
      %dma_start3A_35 = arith.constant 0 : i32
      %dma_start3A_36 = tpu.memref_slice %arg4[%add3A_18, %dma_start3A_35] : memref<65536x128xf32, #tpu.memory_space<hbm>> -> memref<512x128xf32, #tpu.memory_space<hbm>>
      tpu.enqueue_dma source(%arg6 : memref<512x128xf32, #tpu.memory_space<vmem>>) target(%dma_start3A_36 : memref<512x128xf32, #tpu.memory_space<hbm>>) target_semaphore(%run_scoped3A : memref<!tpu.dma_semaphore, #tpu.memory_space<semaphore_mem>>)
      %dma_wait3A_37 = arith.constant 0 : i32
      %dma_wait3A_38 = tpu.memref_slice %arg4[%add3A_18, %dma_wait3A_37] : memref<65536x128xf32, #tpu.memory_space<hbm>> -> memref<512x128xf32, #tpu.memory_space<hbm>>
      %dma_wait3A_39 = arith.constant 0 : i32
      %dma_wait3A_40 = tpu.memref_slice %arg4[%add3A_18, %dma_wait3A_39] : memref<65536x128xf32, #tpu.memory_space<hbm>> -> memref<512x128xf32, #tpu.memory_space<hbm>>
      tpu.wait_dma2 semaphore(%run_scoped3A : memref<!tpu.dma_semaphore, #tpu.memory_space<semaphore_mem>>) src(%arg6 : memref<512x128xf32, #tpu.memory_space<vmem>>) dst(%dma_wait3A_40 : memref<512x128xf32, #tpu.memory_space<hbm>>)
      tpu.yield
    }) : () -> ()
    %add3A_25 = arith.constant 1536 : i32
    %add3A_26 = arith.addi %mul3A_2, %add3A_25 : i32
    "tpu.region"() ({
      %run_scoped3A = tpu.sem_alloc : memref<!tpu.dma_semaphore, #tpu.memory_space<semaphore_mem>>
      %dma_start3A_33 = tpu.memref_slice %arg3[%add3A_26] : memref<65536xi32, #tpu.memory_space<hbm>> -> memref<512xi32, #tpu.memory_space<hbm>>
      %dma_start3A_34 = tpu.memref_slice %arg3[%add3A_26] : memref<65536xi32, #tpu.memory_space<hbm>> -> memref<512xi32, #tpu.memory_space<hbm>>
      tpu.enqueue_dma source(%dma_start3A_34 : memref<512xi32, #tpu.memory_space<hbm>>) target(%arg5 : memref<512xi32, #tpu.memory_space<vmem>>) target_semaphore(%run_scoped3A : memref<!tpu.dma_semaphore, #tpu.memory_space<semaphore_mem>>)
      %dma_wait3A_35 = tpu.memref_slice %arg3[%add3A_26] : memref<65536xi32, #tpu.memory_space<hbm>> -> memref<512xi32, #tpu.memory_space<hbm>>
      %dma_wait3A_36 = tpu.memref_slice %arg3[%add3A_26] : memref<65536xi32, #tpu.memory_space<hbm>> -> memref<512xi32, #tpu.memory_space<hbm>>
      tpu.wait_dma2 semaphore(%run_scoped3A : memref<!tpu.dma_semaphore, #tpu.memory_space<semaphore_mem>>) src(%dma_wait3A_36 : memref<512xi32, #tpu.memory_space<hbm>>) dst(%arg5 : memref<512xi32, #tpu.memory_space<vmem>>)
      tpu.yield
    }) : () -> ()
    %dma_start3A_27 = arith.constant 0 : i32
    %dma_start3A_28 = arith.constant 0 : i32
    %dma_start3A_29 = tpu.memref_slice %arg2[%dma_start3A_27, %dma_start3A_28] : memref<1024x128xf32, #tpu.memory_space<hbm>> -> memref<1024x128xf32, #tpu.memory_space<hbm>>
    tpu.enqueue_indirect_dma source(%dma_start3A_29 : memref<1024x128xf32, #tpu.memory_space<hbm>>) target(%arg6 : memref<512x128xf32, #tpu.memory_space<vmem>>) offsets(%arg5 : memref<512xi32, #tpu.memory_space<vmem>>) semaphore(%arg7 : memref<!tpu.dma_semaphore, #tpu.memory_space<semaphore_mem>>)
    %dma_wait3A_30 = arith.constant 0 : i32
    %dma_wait3A_31 = arith.constant 0 : i32
    %dma_wait3A_32 = tpu.memref_slice %arg2[%dma_wait3A_30, %dma_wait3A_31] : memref<1024x128xf32, #tpu.memory_space<hbm>> -> memref<1024x128xf32, #tpu.memory_space<hbm>>
    tpu.wait_indirect_dma semaphore(%arg7 : memref<!tpu.dma_semaphore, #tpu.memory_space<semaphore_mem>>) src(%dma_wait3A_32 : memref<1024x128xf32, #tpu.memory_space<hbm>>) dst(%arg6 : memref<512x128xf32, #tpu.memory_space<vmem>>)
    "tpu.region"() ({
      %run_scoped3A = tpu.sem_alloc : memref<!tpu.dma_semaphore, #tpu.memory_space<semaphore_mem>>
      %dma_start3A_33 = arith.constant 0 : i32
      %dma_start3A_34 = tpu.memref_slice %arg4[%add3A_26, %dma_start3A_33] : memref<65536x128xf32, #tpu.memory_space<hbm>> -> memref<512x128xf32, #tpu.memory_space<hbm>>
      %dma_start3A_35 = arith.constant 0 : i32
      %dma_start3A_36 = tpu.memref_slice %arg4[%add3A_26, %dma_start3A_35] : memref<65536x128xf32, #tpu.memory_space<hbm>> -> memref<512x128xf32, #tpu.memory_space<hbm>>
      tpu.enqueue_dma source(%arg6 : memref<512x128xf32, #tpu.memory_space<vmem>>) target(%dma_start3A_36 : memref<512x128xf32, #tpu.memory_space<hbm>>) target_semaphore(%run_scoped3A : memref<!tpu.dma_semaphore, #tpu.memory_space<semaphore_mem>>)
      %dma_wait3A_37 = arith.constant 0 : i32
      %dma_wait3A_38 = tpu.memref_slice %arg4[%add3A_26, %dma_wait3A_37] : memref<65536x128xf32, #tpu.memory_space<hbm>> -> memref<512x128xf32, #tpu.memory_space<hbm>>
      %dma_wait3A_39 = arith.constant 0 : i32
      %dma_wait3A_40 = tpu.memref_slice %arg4[%add3A_26, %dma_wait3A_39] : memref<65536x128xf32, #tpu.memory_space<hbm>> -> memref<512x128xf32, #tpu.memory_space<hbm>>
      tpu.wait_dma2 semaphore(%run_scoped3A : memref<!tpu.dma_semaphore, #tpu.memory_space<semaphore_mem>>) src(%arg6 : memref<512x128xf32, #tpu.memory_space<vmem>>) dst(%dma_wait3A_40 : memref<512x128xf32, #tpu.memory_space<hbm>>)
      tpu.yield
    }) : () -> ()
    return
  }
}

module attributes {stable_mosaic.version = 14 : i64} {
  func.func @_tc_body(%arg0: i32, %arg1: memref<1024x128xf32, #tpu.memory_space<vmem>>, %arg2: memref<1024x128xf32, #tpu.memory_space<vmem>>, %arg3: memref<1x1x1024xi32, #tpu.memory_space<vmem>>, %arg4: memref<1x1024xf32, #tpu.memory_space<vmem>>, %arg5: memref<1x1xf32, #tpu.memory_space<smem>>, %arg6: memref<1024x128xf32, #tpu.memory_space<vmem>>, %arg7: memref<1x1024xf32, #tpu.memory_space<vmem>>, %arg8: memref<1024x8xf32, #tpu.memory_space<vmem>>, %arg9: memref<1xf32, #tpu.memory_space<smem>>) attributes {dimension_semantics = [#tpu.dimension_semantics<arbitrary>], iteration_bounds = array<i64: 64>, scalar_prefetch = 0 : i64, scratch_operands = 4 : i64, tpu.core_type = #tpu.core_type<tc>, window_params = [{transform_indices = @transform_0, window_bounds = array<i64: 1024, 128>}, {pipeline_mode = #tpu.pipeline_mode<synchronous>, transform_indices = @transform_1, window_bounds = array<i64: 1024, 128>}, {transform_indices = @transform_2, window_bounds = array<i64: 1, 1, 1024>}, {pipeline_mode = #tpu.pipeline_mode<synchronous>, transform_indices = @transform_3, window_bounds = array<i64: 1, 1024>}, {transform_indices = @transform_4, window_bounds = array<i64: 1, 1>}]} {
    %eq3A = arith.constant 0 : i32
    %eq3A_0 = arith.cmpi eq, %arg0, %eq3A : i32
    %convert_element_type3A = arith.extui %eq3A_0 : i1 to i32
    %cond3A = arith.constant 0 : i32
    %cond3A_1 = arith.cmpi ne, %convert_element_type3A, %cond3A : i32
    scf.if %cond3A_1 {
      %get3A_514 = arith.constant 0 : index
      %get3A_515 = arith.constant 0 : index
      %get3A_516 = vector.load %arg2[%get3A_514, %get3A_515] : memref<1024x128xf32, #tpu.memory_space<vmem>>, vector<1024x128xf32>
      %mul3A_517 = arith.mulf %get3A_516, %get3A_516 : vector<1024x128xf32>
      %transpose3A_518 = tpu.transpose %mul3A_517, [1, 0] : vector<1024x128xf32> -> vector<128x1024xf32>
      %slice3A_519 = vector.extract_strided_slice %transpose3A_518 {offsets = [0, 0], sizes = [8, 1024], strides = [1, 1]} : vector<128x1024xf32> to vector<8x1024xf32>
      %slice3A_520 = vector.extract_strided_slice %transpose3A_518 {offsets = [8, 0], sizes = [8, 1024], strides = [1, 1]} : vector<128x1024xf32> to vector<8x1024xf32>
      %add3A_521 = arith.addf %slice3A_519, %slice3A_520 : vector<8x1024xf32>
      %slice3A_522 = vector.extract_strided_slice %transpose3A_518 {offsets = [16, 0], sizes = [8, 1024], strides = [1, 1]} : vector<128x1024xf32> to vector<8x1024xf32>
      %add3A_523 = arith.addf %add3A_521, %slice3A_522 : vector<8x1024xf32>
      %slice3A_524 = vector.extract_strided_slice %transpose3A_518 {offsets = [24, 0], sizes = [8, 1024], strides = [1, 1]} : vector<128x1024xf32> to vector<8x1024xf32>
      %add3A_525 = arith.addf %add3A_523, %slice3A_524 : vector<8x1024xf32>
      %slice3A_526 = vector.extract_strided_slice %transpose3A_518 {offsets = [32, 0], sizes = [8, 1024], strides = [1, 1]} : vector<128x1024xf32> to vector<8x1024xf32>
      %add3A_527 = arith.addf %add3A_525, %slice3A_526 : vector<8x1024xf32>
      %slice3A_528 = vector.extract_strided_slice %transpose3A_518 {offsets = [40, 0], sizes = [8, 1024], strides = [1, 1]} : vector<128x1024xf32> to vector<8x1024xf32>
      %add3A_529 = arith.addf %add3A_527, %slice3A_528 : vector<8x1024xf32>
      %slice3A_530 = vector.extract_strided_slice %transpose3A_518 {offsets = [48, 0], sizes = [8, 1024], strides = [1, 1]} : vector<128x1024xf32> to vector<8x1024xf32>
      %add3A_531 = arith.addf %add3A_529, %slice3A_530 : vector<8x1024xf32>
      %slice3A_532 = vector.extract_strided_slice %transpose3A_518 {offsets = [56, 0], sizes = [8, 1024], strides = [1, 1]} : vector<128x1024xf32> to vector<8x1024xf32>
      %add3A_533 = arith.addf %add3A_531, %slice3A_532 : vector<8x1024xf32>
      %slice3A_534 = vector.extract_strided_slice %transpose3A_518 {offsets = [64, 0], sizes = [8, 1024], strides = [1, 1]} : vector<128x1024xf32> to vector<8x1024xf32>
      %add3A_535 = arith.addf %add3A_533, %slice3A_534 : vector<8x1024xf32>
      %slice3A_536 = vector.extract_strided_slice %transpose3A_518 {offsets = [72, 0], sizes = [8, 1024], strides = [1, 1]} : vector<128x1024xf32> to vector<8x1024xf32>
      %add3A_537 = arith.addf %add3A_535, %slice3A_536 : vector<8x1024xf32>
      %slice3A_538 = vector.extract_strided_slice %transpose3A_518 {offsets = [80, 0], sizes = [8, 1024], strides = [1, 1]} : vector<128x1024xf32> to vector<8x1024xf32>
      %add3A_539 = arith.addf %add3A_537, %slice3A_538 : vector<8x1024xf32>
      %slice3A_540 = vector.extract_strided_slice %transpose3A_518 {offsets = [88, 0], sizes = [8, 1024], strides = [1, 1]} : vector<128x1024xf32> to vector<8x1024xf32>
      %add3A_541 = arith.addf %add3A_539, %slice3A_540 : vector<8x1024xf32>
      %slice3A_542 = vector.extract_strided_slice %transpose3A_518 {offsets = [96, 0], sizes = [8, 1024], strides = [1, 1]} : vector<128x1024xf32> to vector<8x1024xf32>
      %add3A_543 = arith.addf %add3A_541, %slice3A_542 : vector<8x1024xf32>
      %slice3A_544 = vector.extract_strided_slice %transpose3A_518 {offsets = [104, 0], sizes = [8, 1024], strides = [1, 1]} : vector<128x1024xf32> to vector<8x1024xf32>
      %add3A_545 = arith.addf %add3A_543, %slice3A_544 : vector<8x1024xf32>
      %slice3A_546 = vector.extract_strided_slice %transpose3A_518 {offsets = [112, 0], sizes = [8, 1024], strides = [1, 1]} : vector<128x1024xf32> to vector<8x1024xf32>
      %add3A_547 = arith.addf %add3A_545, %slice3A_546 : vector<8x1024xf32>
      %slice3A_548 = vector.extract_strided_slice %transpose3A_518 {offsets = [120, 0], sizes = [8, 1024], strides = [1, 1]} : vector<128x1024xf32> to vector<8x1024xf32>
      %add3A_549 = arith.addf %add3A_547, %slice3A_548 : vector<8x1024xf32>
      %slice3A_550 = vector.extract_strided_slice %add3A_549 {offsets = [0, 0], sizes = [1, 1024], strides = [1, 1]} : vector<8x1024xf32> to vector<1x1024xf32>
      %slice3A_551 = vector.extract_strided_slice %add3A_549 {offsets = [4, 0], sizes = [1, 1024], strides = [1, 1]} : vector<8x1024xf32> to vector<1x1024xf32>
      %add3A_552 = arith.addf %slice3A_550, %slice3A_551 : vector<1x1024xf32>
      %slice3A_553 = vector.extract_strided_slice %add3A_549 {offsets = [2, 0], sizes = [1, 1024], strides = [1, 1]} : vector<8x1024xf32> to vector<1x1024xf32>
      %slice3A_554 = vector.extract_strided_slice %add3A_549 {offsets = [6, 0], sizes = [1, 1024], strides = [1, 1]} : vector<8x1024xf32> to vector<1x1024xf32>
      %add3A_555 = arith.addf %slice3A_553, %slice3A_554 : vector<1x1024xf32>
      %slice3A_556 = vector.extract_strided_slice %add3A_549 {offsets = [1, 0], sizes = [1, 1024], strides = [1, 1]} : vector<8x1024xf32> to vector<1x1024xf32>
      %slice3A_557 = vector.extract_strided_slice %add3A_549 {offsets = [5, 0], sizes = [1, 1024], strides = [1, 1]} : vector<8x1024xf32> to vector<1x1024xf32>
      %add3A_558 = arith.addf %slice3A_556, %slice3A_557 : vector<1x1024xf32>
      %slice3A_559 = vector.extract_strided_slice %add3A_549 {offsets = [3, 0], sizes = [1, 1024], strides = [1, 1]} : vector<8x1024xf32> to vector<1x1024xf32>
      %slice3A_560 = vector.extract_strided_slice %add3A_549 {offsets = [7, 0], sizes = [1, 1024], strides = [1, 1]} : vector<8x1024xf32> to vector<1x1024xf32>
      %add3A_561 = arith.addf %slice3A_559, %slice3A_560 : vector<1x1024xf32>
      %add3A_562 = arith.addf %add3A_552, %add3A_555 : vector<1x1024xf32>
      %add3A_563 = arith.addf %add3A_558, %add3A_561 : vector<1x1024xf32>
      %add3A_564 = arith.addf %add3A_562, %add3A_563 : vector<1x1024xf32>
      %transpose3A_565 = tpu.transpose %add3A_564, [1, 0] : vector<1x1024xf32> -> vector<1024x1xf32>
      %sqrt3A_566 = math.sqrt %transpose3A_565 : vector<1024x1xf32>
      %max3A_567 = arith.constant 9.99999996E-13 : f32
      %max3A_568 = vector.broadcast %max3A_567 : f32 to vector<1024x1xf32>
      %max3A_569 = arith.maximumf %sqrt3A_566, %max3A_568 : vector<1024x1xf32>
      %div3A_570 = vector.broadcast %max3A_569 : vector<1024x1xf32> to vector<1024x128xf32>
      %div3A_571 = arith.divf %get3A_516, %div3A_570 : vector<1024x128xf32>
      %swap3A_572 = arith.constant 0 : index
      %swap3A_573 = arith.constant 0 : index
      %swap3A_574 = vector.load %arg6[%swap3A_572, %swap3A_573] : memref<1024x128xf32, #tpu.memory_space<vmem>>, vector<1024x128xf32>
      tpu.vector_store %arg6[%swap3A_572, %swap3A_573], %div3A_571 {strides = array<i32>} : memref<1024x128xf32, #tpu.memory_space<vmem>>, vector<1024x128xf32>,
      %mul3A_575 = arith.mulf %div3A_571, %div3A_571 : vector<1024x128xf32>
      %transpose3A_576 = tpu.transpose %mul3A_575, [1, 0] : vector<1024x128xf32> -> vector<128x1024xf32>
      %slice3A_577 = vector.extract_strided_slice %transpose3A_576 {offsets = [0, 0], sizes = [8, 1024], strides = [1, 1]} : vector<128x1024xf32> to vector<8x1024xf32>
      %slice3A_578 = vector.extract_strided_slice %transpose3A_576 {offsets = [8, 0], sizes = [8, 1024], strides = [1, 1]} : vector<128x1024xf32> to vector<8x1024xf32>
      %add3A_579 = arith.addf %slice3A_577, %slice3A_578 : vector<8x1024xf32>
      %slice3A_580 = vector.extract_strided_slice %transpose3A_576 {offsets = [16, 0], sizes = [8, 1024], strides = [1, 1]} : vector<128x1024xf32> to vector<8x1024xf32>
      %add3A_581 = arith.addf %add3A_579, %slice3A_580 : vector<8x1024xf32>
      %slice3A_582 = vector.extract_strided_slice %transpose3A_576 {offsets = [24, 0], sizes = [8, 1024], strides = [1, 1]} : vector<128x1024xf32> to vector<8x1024xf32>
      %add3A_583 = arith.addf %add3A_581, %slice3A_582 : vector<8x1024xf32>
      %slice3A_584 = vector.extract_strided_slice %transpose3A_576 {offsets = [32, 0], sizes = [8, 1024], strides = [1, 1]} : vector<128x1024xf32> to vector<8x1024xf32>
      %add3A_585 = arith.addf %add3A_583, %slice3A_584 : vector<8x1024xf32>
      %slice3A_586 = vector.extract_strided_slice %transpose3A_576 {offsets = [40, 0], sizes = [8, 1024], strides = [1, 1]} : vector<128x1024xf32> to vector<8x1024xf32>
      %add3A_587 = arith.addf %add3A_585, %slice3A_586 : vector<8x1024xf32>
      %slice3A_588 = vector.extract_strided_slice %transpose3A_576 {offsets = [48, 0], sizes = [8, 1024], strides = [1, 1]} : vector<128x1024xf32> to vector<8x1024xf32>
      %add3A_589 = arith.addf %add3A_587, %slice3A_588 : vector<8x1024xf32>
      %slice3A_590 = vector.extract_strided_slice %transpose3A_576 {offsets = [56, 0], sizes = [8, 1024], strides = [1, 1]} : vector<128x1024xf32> to vector<8x1024xf32>
      %add3A_591 = arith.addf %add3A_589, %slice3A_590 : vector<8x1024xf32>
      %slice3A_592 = vector.extract_strided_slice %transpose3A_576 {offsets = [64, 0], sizes = [8, 1024], strides = [1, 1]} : vector<128x1024xf32> to vector<8x1024xf32>
      %add3A_593 = arith.addf %add3A_591, %slice3A_592 : vector<8x1024xf32>
      %slice3A_594 = vector.extract_strided_slice %transpose3A_576 {offsets = [72, 0], sizes = [8, 1024], strides = [1, 1]} : vector<128x1024xf32> to vector<8x1024xf32>
      %add3A_595 = arith.addf %add3A_593, %slice3A_594 : vector<8x1024xf32>
      %slice3A_596 = vector.extract_strided_slice %transpose3A_576 {offsets = [80, 0], sizes = [8, 1024], strides = [1, 1]} : vector<128x1024xf32> to vector<8x1024xf32>
      %add3A_597 = arith.addf %add3A_595, %slice3A_596 : vector<8x1024xf32>
      %slice3A_598 = vector.extract_strided_slice %transpose3A_576 {offsets = [88, 0], sizes = [8, 1024], strides = [1, 1]} : vector<128x1024xf32> to vector<8x1024xf32>
      %add3A_599 = arith.addf %add3A_597, %slice3A_598 : vector<8x1024xf32>
      %slice3A_600 = vector.extract_strided_slice %transpose3A_576 {offsets = [96, 0], sizes = [8, 1024], strides = [1, 1]} : vector<128x1024xf32> to vector<8x1024xf32>
      %add3A_601 = arith.addf %add3A_599, %slice3A_600 : vector<8x1024xf32>
      %slice3A_602 = vector.extract_strided_slice %transpose3A_576 {offsets = [104, 0], sizes = [8, 1024], strides = [1, 1]} : vector<128x1024xf32> to vector<8x1024xf32>
      %add3A_603 = arith.addf %add3A_601, %slice3A_602 : vector<8x1024xf32>
      %slice3A_604 = vector.extract_strided_slice %transpose3A_576 {offsets = [112, 0], sizes = [8, 1024], strides = [1, 1]} : vector<128x1024xf32> to vector<8x1024xf32>
      %add3A_605 = arith.addf %add3A_603, %slice3A_604 : vector<8x1024xf32>
      %slice3A_606 = vector.extract_strided_slice %transpose3A_576 {offsets = [120, 0], sizes = [8, 1024], strides = [1, 1]} : vector<128x1024xf32> to vector<8x1024xf32>
      %add3A_607 = arith.addf %add3A_605, %slice3A_606 : vector<8x1024xf32>
      %slice3A_608 = vector.extract_strided_slice %add3A_607 {offsets = [0, 0], sizes = [1, 1024], strides = [1, 1]} : vector<8x1024xf32> to vector<1x1024xf32>
      %slice3A_609 = vector.extract_strided_slice %add3A_607 {offsets = [4, 0], sizes = [1, 1024], strides = [1, 1]} : vector<8x1024xf32> to vector<1x1024xf32>
      %add3A_610 = arith.addf %slice3A_608, %slice3A_609 : vector<1x1024xf32>
      %slice3A_611 = vector.extract_strided_slice %add3A_607 {offsets = [2, 0], sizes = [1, 1024], strides = [1, 1]} : vector<8x1024xf32> to vector<1x1024xf32>
      %slice3A_612 = vector.extract_strided_slice %add3A_607 {offsets = [6, 0], sizes = [1, 1024], strides = [1, 1]} : vector<8x1024xf32> to vector<1x1024xf32>
      %add3A_613 = arith.addf %slice3A_611, %slice3A_612 : vector<1x1024xf32>
      %slice3A_614 = vector.extract_strided_slice %add3A_607 {offsets = [1, 0], sizes = [1, 1024], strides = [1, 1]} : vector<8x1024xf32> to vector<1x1024xf32>
      %slice3A_615 = vector.extract_strided_slice %add3A_607 {offsets = [5, 0], sizes = [1, 1024], strides = [1, 1]} : vector<8x1024xf32> to vector<1x1024xf32>
      %add3A_616 = arith.addf %slice3A_614, %slice3A_615 : vector<1x1024xf32>
      %slice3A_617 = vector.extract_strided_slice %add3A_607 {offsets = [3, 0], sizes = [1, 1024], strides = [1, 1]} : vector<8x1024xf32> to vector<1x1024xf32>
      %slice3A_618 = vector.extract_strided_slice %add3A_607 {offsets = [7, 0], sizes = [1, 1024], strides = [1, 1]} : vector<8x1024xf32> to vector<1x1024xf32>
      %add3A_619 = arith.addf %slice3A_617, %slice3A_618 : vector<1x1024xf32>
      %add3A_620 = arith.addf %add3A_610, %add3A_613 : vector<1x1024xf32>
      %add3A_621 = arith.addf %add3A_616, %add3A_619 : vector<1x1024xf32>
      %add3A_622 = arith.addf %add3A_620, %add3A_621 : vector<1x1024xf32>
      %swap3A_623 = arith.constant 0 : index
      %swap3A_624 = arith.constant 0 : index
      %swap3A_625 = vector.load %arg7[%swap3A_623, %swap3A_624] : memref<1x1024xf32, #tpu.memory_space<vmem>>, vector<1x1024xf32>
      tpu.vector_store %arg7[%swap3A_623, %swap3A_624], %add3A_622 {strides = array<i32>} : memref<1x1024xf32, #tpu.memory_space<vmem>>, vector<1x1024xf32>,
      %iota3A = tpu.iota {dimensions = array<i32: 0>} : vector<1024x1xi32>
      %jit3A_626 = arith.constant 32 : i32
      %div3A_627 = vector.broadcast %jit3A_626 : i32 to vector<1024x1xi32>
      %div3A_628 = arith.divsi %iota3A, %div3A_627 : vector<1024x1xi32>
      %sign3A = arith.constant 0 : i32
      %sign3A_629 = vector.broadcast %sign3A : i32 to vector<1024x1xi32>
      %sign3A_630 = arith.cmpi sgt, %iota3A, %sign3A_629 : vector<1024x1xi32>
      %sign3A_631 = arith.extui %sign3A_630 : vector<1024x1xi1> to vector<1024x1xi32>
      %sign3A_632 = arith.constant 0 : i32
      %sign3A_633 = vector.broadcast %sign3A_632 : i32 to vector<1024x1xi32>
      %sign3A_634 = arith.cmpi slt, %iota3A, %sign3A_633 : vector<1024x1xi32>
      %sign3A_635 = arith.extui %sign3A_634 : vector<1024x1xi1> to vector<1024x1xi32>
      %sign3A_636 = arith.subi %sign3A_631, %sign3A_635 : vector<1024x1xi32>
      %sign3A_637 = arith.constant 0 : i32
      %sign3A_638 = arith.cmpi sgt, %jit3A_626, %sign3A_637 : i32
      %sign3A_639 = arith.extui %sign3A_638 : i1 to i32
      %sign3A_640 = arith.constant 0 : i32
      %sign3A_641 = arith.cmpi slt, %jit3A_626, %sign3A_640 : i32
      %sign3A_642 = arith.extui %sign3A_641 : i1 to i32
      %sign3A_643 = arith.subi %sign3A_639, %sign3A_642 : i32
      %ne3A_644 = vector.broadcast %sign3A_643 : i32 to vector<1024x1xi32>
      %ne3A_645 = arith.cmpi ne, %sign3A_636, %ne3A_644 : vector<1024x1xi32>
      %rem3A = vector.broadcast %jit3A_626 : i32 to vector<1024x1xi32>
      %rem3A_646 = arith.remsi %iota3A, %rem3A : vector<1024x1xi32>
      %ne3A_647 = arith.constant 0 : i32
      %ne3A_648 = vector.broadcast %ne3A_647 : i32 to vector<1024x1xi32>
      %ne3A_649 = arith.cmpi ne, %rem3A_646, %ne3A_648 : vector<1024x1xi32>
      %and3A = arith.andi %ne3A_645, %ne3A_649 : vector<1024x1xi1>
      %sub3A_650 = arith.constant 1 : i32
      %sub3A_651 = vector.broadcast %sub3A_650 : i32 to vector<1024x1xi32>
      %sub3A_652 = arith.subi %div3A_628, %sub3A_651 : vector<1024x1xi32>
      %select_n3A_653 = arith.select %and3A, %sub3A_652, %div3A_628 : vector<1024x1xi1>, vector<1024x1xi32>
      %convert_element_type3A_654 = arith.sitofp %select_n3A_653 : vector<1024x1xi32> to vector<1024x1xf32>
      %jit3A_655 = arith.constant 32 : i32
      %eq3A_656 = arith.constant 0 : i32
      %eq3A_657 = arith.cmpi eq, %jit3A_655, %eq3A_656 : i32
      %jit3A_658 = arith.constant 1 : i32
      %select_n3A_659 = arith.select %eq3A_657, %jit3A_658, %jit3A_655 : i32
      %rem3A_660 = vector.broadcast %select_n3A_659 : i32 to vector<1024x1xi32>
      %rem3A_661 = arith.remsi %iota3A, %rem3A_660 : vector<1024x1xi32>
      %ne3A_662 = arith.constant 0 : i32
      %ne3A_663 = vector.broadcast %ne3A_662 : i32 to vector<1024x1xi32>
      %ne3A_664 = arith.cmpi ne, %rem3A_661, %ne3A_663 : vector<1024x1xi32>
      %lt3A = arith.constant 0 : i32
      %lt3A_665 = vector.broadcast %lt3A : i32 to vector<1024x1xi32>
      %lt3A_666 = arith.cmpi slt, %rem3A_661, %lt3A_665 : vector<1024x1xi32>
      %lt3A_667 = arith.constant 0 : i32
      %lt3A_668 = arith.cmpi slt, %select_n3A_659, %lt3A_667 : i32
      %ne3A_669 = vector.broadcast %lt3A_668 : i1 to vector<1024x1xi1>
      %ne3A_670 = vector.broadcast %ne3A_669 : vector<1024x1xi1> to vector<1024x1xi1>
      %ne3A_671 = arith.xori %lt3A_666, %ne3A_670 : vector<1024x1xi1>
      %and3A_672 = arith.andi %ne3A_671, %ne3A_664 : vector<1024x1xi1>
      %add3A_673 = vector.broadcast %select_n3A_659 : i32 to vector<1024x1xi32>
      %add3A_674 = arith.addi %rem3A_661, %add3A_673 : vector<1024x1xi32>
      %select_n3A_675 = arith.select %and3A_672, %add3A_674, %rem3A_661 : vector<1024x1xi1>, vector<1024x1xi32>
      %convert_element_type3A_676 = arith.sitofp %select_n3A_675 : vector<1024x1xi32> to vector<1024x1xf32>
      %broadcast_in_dim3A_677 = arith.constant 0.000000e+00 : f32
      %broadcast_in_dim3A_678 = vector.broadcast %broadcast_in_dim3A_677 : f32 to vector<1024x4xf32>
      %transpose3A_679 = tpu.transpose %add3A_564, [1, 0] : vector<1x1024xf32> -> vector<1024x1xf32>
      %transpose3A_680 = tpu.transpose %add3A_622, [1, 0] : vector<1x1024xf32> -> vector<1024x1xf32>
      %concatenate3A = tpu.concatenate %convert_element_type3A_654, %convert_element_type3A_676, %transpose3A_679, %transpose3A_680, %broadcast_in_dim3A_678 in 1 : vector<1024x1xf32>, vector<1024x1xf32>, vector<1024x1xf32>, vector<1024x1xf32>, vector<1024x4xf32> -> vector<1024x8xf32>
      %swap3A_681 = arith.constant 0 : index
      %swap3A_682 = arith.constant 0 : index
      %swap3A_683 = vector.load %arg8[%swap3A_681, %swap3A_682] : memref<1024x8xf32, #tpu.memory_space<vmem>>, vector<1024x8xf32>
      tpu.vector_store %arg8[%swap3A_681, %swap3A_682], %concatenate3A {strides = array<i32>} : memref<1024x8xf32, #tpu.memory_space<vmem>>, vector<1024x8xf32>,
      %swap3A_684 = arith.constant 0.000000e+00 : f32
      %swap3A_685 = arith.constant 0 : index
      %swap3A_686 = memref.load %arg9[%swap3A_685] : memref<1xf32, #tpu.memory_space<smem>>
      memref.store %swap3A_684, %arg9[%swap3A_685] : memref<1xf32, #tpu.memory_space<smem>>
    } else {
    }
    %get3A = arith.constant 0 : index
    %get3A_2 = arith.constant 0 : index
    %get3A_3 = vector.load %arg1[%get3A, %get3A_2] : memref<1024x128xf32, #tpu.memory_space<vmem>>, vector<1024x128xf32>
    %mul3A = arith.mulf %get3A_3, %get3A_3 : vector<1024x128xf32>
    %transpose3A = tpu.transpose %mul3A, [1, 0] : vector<1024x128xf32> -> vector<128x1024xf32>
    %slice3A = vector.extract_strided_slice %transpose3A {offsets = [0, 0], sizes = [8, 1024], strides = [1, 1]} : vector<128x1024xf32> to vector<8x1024xf32>
    %slice3A_4 = vector.extract_strided_slice %transpose3A {offsets = [8, 0], sizes = [8, 1024], strides = [1, 1]} : vector<128x1024xf32> to vector<8x1024xf32>
    %add3A = arith.addf %slice3A, %slice3A_4 : vector<8x1024xf32>
    %slice3A_5 = vector.extract_strided_slice %transpose3A {offsets = [16, 0], sizes = [8, 1024], strides = [1, 1]} : vector<128x1024xf32> to vector<8x1024xf32>
    %add3A_6 = arith.addf %add3A, %slice3A_5 : vector<8x1024xf32>
    %slice3A_7 = vector.extract_strided_slice %transpose3A {offsets = [24, 0], sizes = [8, 1024], strides = [1, 1]} : vector<128x1024xf32> to vector<8x1024xf32>
    %add3A_8 = arith.addf %add3A_6, %slice3A_7 : vector<8x1024xf32>
    %slice3A_9 = vector.extract_strided_slice %transpose3A {offsets = [32, 0], sizes = [8, 1024], strides = [1, 1]} : vector<128x1024xf32> to vector<8x1024xf32>
    %add3A_10 = arith.addf %add3A_8, %slice3A_9 : vector<8x1024xf32>
    %slice3A_11 = vector.extract_strided_slice %transpose3A {offsets = [40, 0], sizes = [8, 1024], strides = [1, 1]} : vector<128x1024xf32> to vector<8x1024xf32>
    %add3A_12 = arith.addf %add3A_10, %slice3A_11 : vector<8x1024xf32>
    %slice3A_13 = vector.extract_strided_slice %transpose3A {offsets = [48, 0], sizes = [8, 1024], strides = [1, 1]} : vector<128x1024xf32> to vector<8x1024xf32>
    %add3A_14 = arith.addf %add3A_12, %slice3A_13 : vector<8x1024xf32>
    %slice3A_15 = vector.extract_strided_slice %transpose3A {offsets = [56, 0], sizes = [8, 1024], strides = [1, 1]} : vector<128x1024xf32> to vector<8x1024xf32>
    %add3A_16 = arith.addf %add3A_14, %slice3A_15 : vector<8x1024xf32>
    %slice3A_17 = vector.extract_strided_slice %transpose3A {offsets = [64, 0], sizes = [8, 1024], strides = [1, 1]} : vector<128x1024xf32> to vector<8x1024xf32>
    %add3A_18 = arith.addf %add3A_16, %slice3A_17 : vector<8x1024xf32>
    %slice3A_19 = vector.extract_strided_slice %transpose3A {offsets = [72, 0], sizes = [8, 1024], strides = [1, 1]} : vector<128x1024xf32> to vector<8x1024xf32>
    %add3A_20 = arith.addf %add3A_18, %slice3A_19 : vector<8x1024xf32>
    %slice3A_21 = vector.extract_strided_slice %transpose3A {offsets = [80, 0], sizes = [8, 1024], strides = [1, 1]} : vector<128x1024xf32> to vector<8x1024xf32>
    %add3A_22 = arith.addf %add3A_20, %slice3A_21 : vector<8x1024xf32>
    %slice3A_23 = vector.extract_strided_slice %transpose3A {offsets = [88, 0], sizes = [8, 1024], strides = [1, 1]} : vector<128x1024xf32> to vector<8x1024xf32>
    %add3A_24 = arith.addf %add3A_22, %slice3A_23 : vector<8x1024xf32>
    %slice3A_25 = vector.extract_strided_slice %transpose3A {offsets = [96, 0], sizes = [8, 1024], strides = [1, 1]} : vector<128x1024xf32> to vector<8x1024xf32>
    %add3A_26 = arith.addf %add3A_24, %slice3A_25 : vector<8x1024xf32>
    %slice3A_27 = vector.extract_strided_slice %transpose3A {offsets = [104, 0], sizes = [8, 1024], strides = [1, 1]} : vector<128x1024xf32> to vector<8x1024xf32>
    %add3A_28 = arith.addf %add3A_26, %slice3A_27 : vector<8x1024xf32>
    %slice3A_29 = vector.extract_strided_slice %transpose3A {offsets = [112, 0], sizes = [8, 1024], strides = [1, 1]} : vector<128x1024xf32> to vector<8x1024xf32>
    %add3A_30 = arith.addf %add3A_28, %slice3A_29 : vector<8x1024xf32>
    %slice3A_31 = vector.extract_strided_slice %transpose3A {offsets = [120, 0], sizes = [8, 1024], strides = [1, 1]} : vector<128x1024xf32> to vector<8x1024xf32>
    %add3A_32 = arith.addf %add3A_30, %slice3A_31 : vector<8x1024xf32>
    %slice3A_33 = vector.extract_strided_slice %add3A_32 {offsets = [0, 0], sizes = [1, 1024], strides = [1, 1]} : vector<8x1024xf32> to vector<1x1024xf32>
    %slice3A_34 = vector.extract_strided_slice %add3A_32 {offsets = [4, 0], sizes = [1, 1024], strides = [1, 1]} : vector<8x1024xf32> to vector<1x1024xf32>
    %add3A_35 = arith.addf %slice3A_33, %slice3A_34 : vector<1x1024xf32>
    %slice3A_36 = vector.extract_strided_slice %add3A_32 {offsets = [2, 0], sizes = [1, 1024], strides = [1, 1]} : vector<8x1024xf32> to vector<1x1024xf32>
    %slice3A_37 = vector.extract_strided_slice %add3A_32 {offsets = [6, 0], sizes = [1, 1024], strides = [1, 1]} : vector<8x1024xf32> to vector<1x1024xf32>
    %add3A_38 = arith.addf %slice3A_36, %slice3A_37 : vector<1x1024xf32>
    %slice3A_39 = vector.extract_strided_slice %add3A_32 {offsets = [1, 0], sizes = [1, 1024], strides = [1, 1]} : vector<8x1024xf32> to vector<1x1024xf32>
    %slice3A_40 = vector.extract_strided_slice %add3A_32 {offsets = [5, 0], sizes = [1, 1024], strides = [1, 1]} : vector<8x1024xf32> to vector<1x1024xf32>
    %add3A_41 = arith.addf %slice3A_39, %slice3A_40 : vector<1x1024xf32>
    %slice3A_42 = vector.extract_strided_slice %add3A_32 {offsets = [3, 0], sizes = [1, 1024], strides = [1, 1]} : vector<8x1024xf32> to vector<1x1024xf32>
    %slice3A_43 = vector.extract_strided_slice %add3A_32 {offsets = [7, 0], sizes = [1, 1024], strides = [1, 1]} : vector<8x1024xf32> to vector<1x1024xf32>
    %add3A_44 = arith.addf %slice3A_42, %slice3A_43 : vector<1x1024xf32>
    %add3A_45 = arith.addf %add3A_35, %add3A_38 : vector<1x1024xf32>
    %add3A_46 = arith.addf %add3A_41, %add3A_44 : vector<1x1024xf32>
    %add3A_47 = arith.addf %add3A_45, %add3A_46 : vector<1x1024xf32>
    %transpose3A_48 = tpu.transpose %add3A_47, [1, 0] : vector<1x1024xf32> -> vector<1024x1xf32>
    %sqrt3A = math.sqrt %transpose3A_48 : vector<1024x1xf32>
    %max3A = arith.constant 9.99999996E-13 : f32
    %max3A_49 = vector.broadcast %max3A : f32 to vector<1024x1xf32>
    %max3A_50 = arith.maximumf %sqrt3A, %max3A_49 : vector<1024x1xf32>
    %div3A = vector.broadcast %max3A_50 : vector<1024x1xf32> to vector<1024x128xf32>
    %div3A_51 = arith.divf %get3A_3, %div3A : vector<1024x128xf32>
    %mul3A_52 = arith.mulf %div3A_51, %div3A_51 : vector<1024x128xf32>
    %transpose3A_53 = tpu.transpose %mul3A_52, [1, 0] : vector<1024x128xf32> -> vector<128x1024xf32>
    %slice3A_54 = vector.extract_strided_slice %transpose3A_53 {offsets = [0, 0], sizes = [8, 1024], strides = [1, 1]} : vector<128x1024xf32> to vector<8x1024xf32>
    %slice3A_55 = vector.extract_strided_slice %transpose3A_53 {offsets = [8, 0], sizes = [8, 1024], strides = [1, 1]} : vector<128x1024xf32> to vector<8x1024xf32>
    %add3A_56 = arith.addf %slice3A_54, %slice3A_55 : vector<8x1024xf32>
    %slice3A_57 = vector.extract_strided_slice %transpose3A_53 {offsets = [16, 0], sizes = [8, 1024], strides = [1, 1]} : vector<128x1024xf32> to vector<8x1024xf32>
    %add3A_58 = arith.addf %add3A_56, %slice3A_57 : vector<8x1024xf32>
    %slice3A_59 = vector.extract_strided_slice %transpose3A_53 {offsets = [24, 0], sizes = [8, 1024], strides = [1, 1]} : vector<128x1024xf32> to vector<8x1024xf32>
    %add3A_60 = arith.addf %add3A_58, %slice3A_59 : vector<8x1024xf32>
    %slice3A_61 = vector.extract_strided_slice %transpose3A_53 {offsets = [32, 0], sizes = [8, 1024], strides = [1, 1]} : vector<128x1024xf32> to vector<8x1024xf32>
    %add3A_62 = arith.addf %add3A_60, %slice3A_61 : vector<8x1024xf32>
    %slice3A_63 = vector.extract_strided_slice %transpose3A_53 {offsets = [40, 0], sizes = [8, 1024], strides = [1, 1]} : vector<128x1024xf32> to vector<8x1024xf32>
    %add3A_64 = arith.addf %add3A_62, %slice3A_63 : vector<8x1024xf32>
    %slice3A_65 = vector.extract_strided_slice %transpose3A_53 {offsets = [48, 0], sizes = [8, 1024], strides = [1, 1]} : vector<128x1024xf32> to vector<8x1024xf32>
    %add3A_66 = arith.addf %add3A_64, %slice3A_65 : vector<8x1024xf32>
    %slice3A_67 = vector.extract_strided_slice %transpose3A_53 {offsets = [56, 0], sizes = [8, 1024], strides = [1, 1]} : vector<128x1024xf32> to vector<8x1024xf32>
    %add3A_68 = arith.addf %add3A_66, %slice3A_67 : vector<8x1024xf32>
    %slice3A_69 = vector.extract_strided_slice %transpose3A_53 {offsets = [64, 0], sizes = [8, 1024], strides = [1, 1]} : vector<128x1024xf32> to vector<8x1024xf32>
    %add3A_70 = arith.addf %add3A_68, %slice3A_69 : vector<8x1024xf32>
    %slice3A_71 = vector.extract_strided_slice %transpose3A_53 {offsets = [72, 0], sizes = [8, 1024], strides = [1, 1]} : vector<128x1024xf32> to vector<8x1024xf32>
    %add3A_72 = arith.addf %add3A_70, %slice3A_71 : vector<8x1024xf32>
    %slice3A_73 = vector.extract_strided_slice %transpose3A_53 {offsets = [80, 0], sizes = [8, 1024], strides = [1, 1]} : vector<128x1024xf32> to vector<8x1024xf32>
    %add3A_74 = arith.addf %add3A_72, %slice3A_73 : vector<8x1024xf32>
    %slice3A_75 = vector.extract_strided_slice %transpose3A_53 {offsets = [88, 0], sizes = [8, 1024], strides = [1, 1]} : vector<128x1024xf32> to vector<8x1024xf32>
    %add3A_76 = arith.addf %add3A_74, %slice3A_75 : vector<8x1024xf32>
    %slice3A_77 = vector.extract_strided_slice %transpose3A_53 {offsets = [96, 0], sizes = [8, 1024], strides = [1, 1]} : vector<128x1024xf32> to vector<8x1024xf32>
    %add3A_78 = arith.addf %add3A_76, %slice3A_77 : vector<8x1024xf32>
    %slice3A_79 = vector.extract_strided_slice %transpose3A_53 {offsets = [104, 0], sizes = [8, 1024], strides = [1, 1]} : vector<128x1024xf32> to vector<8x1024xf32>
    %add3A_80 = arith.addf %add3A_78, %slice3A_79 : vector<8x1024xf32>
    %slice3A_81 = vector.extract_strided_slice %transpose3A_53 {offsets = [112, 0], sizes = [8, 1024], strides = [1, 1]} : vector<128x1024xf32> to vector<8x1024xf32>
    %add3A_82 = arith.addf %add3A_80, %slice3A_81 : vector<8x1024xf32>
    %slice3A_83 = vector.extract_strided_slice %transpose3A_53 {offsets = [120, 0], sizes = [8, 1024], strides = [1, 1]} : vector<128x1024xf32> to vector<8x1024xf32>
    %add3A_84 = arith.addf %add3A_82, %slice3A_83 : vector<8x1024xf32>
    %slice3A_85 = vector.extract_strided_slice %add3A_84 {offsets = [0, 0], sizes = [1, 1024], strides = [1, 1]} : vector<8x1024xf32> to vector<1x1024xf32>
    %slice3A_86 = vector.extract_strided_slice %add3A_84 {offsets = [4, 0], sizes = [1, 1024], strides = [1, 1]} : vector<8x1024xf32> to vector<1x1024xf32>
    %add3A_87 = arith.addf %slice3A_85, %slice3A_86 : vector<1x1024xf32>
    %slice3A_88 = vector.extract_strided_slice %add3A_84 {offsets = [2, 0], sizes = [1, 1024], strides = [1, 1]} : vector<8x1024xf32> to vector<1x1024xf32>
    %slice3A_89 = vector.extract_strided_slice %add3A_84 {offsets = [6, 0], sizes = [1, 1024], strides = [1, 1]} : vector<8x1024xf32> to vector<1x1024xf32>
    %add3A_90 = arith.addf %slice3A_88, %slice3A_89 : vector<1x1024xf32>
    %slice3A_91 = vector.extract_strided_slice %add3A_84 {offsets = [1, 0], sizes = [1, 1024], strides = [1, 1]} : vector<8x1024xf32> to vector<1x1024xf32>
    %slice3A_92 = vector.extract_strided_slice %add3A_84 {offsets = [5, 0], sizes = [1, 1024], strides = [1, 1]} : vector<8x1024xf32> to vector<1x1024xf32>
    %add3A_93 = arith.addf %slice3A_91, %slice3A_92 : vector<1x1024xf32>
    %slice3A_94 = vector.extract_strided_slice %add3A_84 {offsets = [3, 0], sizes = [1, 1024], strides = [1, 1]} : vector<8x1024xf32> to vector<1x1024xf32>
    %slice3A_95 = vector.extract_strided_slice %add3A_84 {offsets = [7, 0], sizes = [1, 1024], strides = [1, 1]} : vector<8x1024xf32> to vector<1x1024xf32>
    %add3A_96 = arith.addf %slice3A_94, %slice3A_95 : vector<1x1024xf32>
    %add3A_97 = arith.addf %add3A_87, %add3A_90 : vector<1x1024xf32>
    %add3A_98 = arith.addf %add3A_93, %add3A_96 : vector<1x1024xf32>
    %add3A_99 = arith.addf %add3A_97, %add3A_98 : vector<1x1024xf32>
    %transpose3A_100 = tpu.transpose %add3A_99, [1, 0] : vector<1x1024xf32> -> vector<1024x1xf32>
    %get3A_101 = arith.constant 0 : index
    %get3A_102 = arith.constant 0 : index
    %get3A_103 = vector.load %arg6[%get3A_101, %get3A_102] : memref<1024x128xf32, #tpu.memory_space<vmem>>, vector<1024x128xf32>
    %dot_general3A = arith.constant dense<0.000000e+00> : vector<1024x1024xf32>
    %dot_general3A_104 = tpu.matmul %div3A_51, %get3A_103, %dot_general3A {dimension_numbers = #tpu.dot_dimension_numbers<[1], [1], [0], [0], [0, 0, 1, 0], [], []>, transpose_lhs_hint = false} : vector<1024x128xf32>, vector<1024x128xf32>, vector<1024x1024xf32> -> vector<1024x1024xf32>
    %get3A_105 = arith.constant 0 : index
    %get3A_106 = arith.constant 0 : index
    %get3A_107 = vector.load %arg7[%get3A_105, %get3A_106] : memref<1x1024xf32, #tpu.memory_space<vmem>>, vector<1x1024xf32>
    %add3A_108 = vector.broadcast %transpose3A_100 : vector<1024x1xf32> to vector<1024x1024xf32>
    %add3A_109 = vector.broadcast %get3A_107 : vector<1x1024xf32> to vector<1024x1024xf32>
    %add3A_110 = arith.addf %add3A_108, %add3A_109 : vector<1024x1024xf32>
    %mul3A_111 = arith.constant 2.000000e+00 : f32
    %mul3A_112 = vector.broadcast %mul3A_111 : f32 to vector<1024x1024xf32>
    %mul3A_113 = arith.mulf %mul3A_112, %dot_general3A_104 : vector<1024x1024xf32>
    %sub3A = arith.subf %add3A_110, %mul3A_113 : vector<1024x1024xf32>
    %reduce_min3A = arith.constant dense<0x7F800000> : vector<1024xf32>
    %reduce_min3A_114 = vector.multi_reduction <minimumf>, %sub3A, %reduce_min3A [1] : vector<1024x1024xf32> to vector<1024xf32>
    %broadcast_in_dim3A = vector.shape_cast %reduce_min3A_114 : vector<1024xf32> to vector<1024x1xf32>
    %eq3A_115 = vector.broadcast %broadcast_in_dim3A : vector<1024x1xf32> to vector<1024x1024xf32>
    %eq3A_116 = arith.cmpf oeq, %sub3A, %eq3A_115 : vector<1024x1024xf32>
    %jit3A = arith.constant 1.000000e+00 : f32
    %jit3A_117 = arith.constant 0.000000e+00 : f32
    %broadcast_in_dim3A_118 = vector.broadcast %jit3A : f32 to vector<1024x1024xf32>
    %broadcast_in_dim3A_119 = vector.broadcast %jit3A_117 : f32 to vector<1024x1024xf32>
    %select_n3A = arith.select %eq3A_116, %broadcast_in_dim3A_118, %broadcast_in_dim3A_119 : vector<1024x1024xi1>, vector<1024x1024xf32>
    %get3A_120 = arith.constant 0 : index
    %get3A_121 = arith.constant 0 : index
    %get3A_122 = vector.load %arg8[%get3A_120, %get3A_121] : memref<1024x8xf32, #tpu.memory_space<vmem>>, vector<1024x8xf32>
    %dot_general3A_123 = arith.constant dense<0.000000e+00> : vector<1024x8xf32>
    %dot_general3A_124 = tpu.matmul %select_n3A, %get3A_122, %dot_general3A_123 {dimension_numbers = #tpu.dot_dimension_numbers<[1], [0], [0], [1], [0, 0, 1, 1], [], []>, transpose_lhs_hint = false} : vector<1024x1024xf32>, vector<1024x8xf32>, vector<1024x8xf32> -> vector<1024x8xf32>
    %slice3A_125 = vector.extract_strided_slice %dot_general3A_124 {offsets = [0, 0], sizes = [1024, 1], strides = [1, 1]} : vector<1024x8xf32> to vector<1024x1xf32>
    %mul3A_126 = arith.constant 3.200000e+01 : f32
    %mul3A_127 = vector.broadcast %mul3A_126 : f32 to vector<1024x1xf32>
    %mul3A_128 = arith.mulf %slice3A_125, %mul3A_127 : vector<1024x1xf32>
    %slice3A_129 = vector.extract_strided_slice %dot_general3A_124 {offsets = [0, 1], sizes = [1024, 1], strides = [1, 1]} : vector<1024x8xf32> to vector<1024x1xf32>
    %add3A_130 = arith.addf %mul3A_128, %slice3A_129 : vector<1024x1xf32>
    %min3A = arith.constant 1.023000e+03 : f32
    %min3A_131 = vector.broadcast %min3A : f32 to vector<1024x1xf32>
    %min3A_132 = arith.minimumf %add3A_130, %min3A_131 : vector<1024x1xf32>
    %convert_element_type3A_133 = arith.fptosi %min3A_132 : vector<1024x1xf32> to vector<1024x1xi32>
    %squeeze3A = vector.shape_cast %convert_element_type3A_133 : vector<1024x1xi32> to vector<1024xi32>
    %swap3A = arith.constant 0 : index
    %swap3A_134 = arith.constant 0 : index
    %swap3A_135 = arith.constant 0 : index
    %swap3A_136 = vector.load %arg3[%swap3A, %swap3A_134, %swap3A_135] : memref<1x1x1024xi32, #tpu.memory_space<vmem>>, vector<1x1x1024xi32>
    %swap3A_137 = vector.shape_cast %swap3A_136 : vector<1x1x1024xi32> to vector<1024xi32>
    %swap3A_138 = vector.shape_cast %squeeze3A : vector<1024xi32> to vector<1x1x1024xi32>
    tpu.vector_store %arg3[%swap3A, %swap3A_134, %swap3A_135], %swap3A_138 {strides = array<i32>} : memref<1x1x1024xi32, #tpu.memory_space<vmem>>, vector<1x1x1024xi32>,
    %slice3A_139 = vector.extract_strided_slice %dot_general3A_124 {offsets = [0, 2], sizes = [1024, 1], strides = [1, 1]} : vector<1024x8xf32> to vector<1024x1xf32>
    %slice3A_140 = vector.extract_strided_slice %dot_general3A_124 {offsets = [0, 3], sizes = [1024, 1], strides = [1, 1]} : vector<1024x8xf32> to vector<1024x1xf32>
    %add3A_141 = arith.addf %transpose3A_100, %slice3A_140 : vector<1024x1xf32>
    %sub3A_142 = arith.subf %add3A_141, %broadcast_in_dim3A : vector<1024x1xf32>
    %mul3A_143 = arith.constant 5.000000e-01 : f32
    %mul3A_144 = vector.broadcast %mul3A_143 : f32 to vector<1024x1xf32>
    %mul3A_145 = arith.mulf %sub3A_142, %mul3A_144 : vector<1024x1xf32>
    %mul3A_146 = arith.constant 2.000000e+00 : f32
    %mul3A_147 = vector.broadcast %mul3A_146 : f32 to vector<1024x1xf32>
    %mul3A_148 = arith.mulf %mul3A_147, %sqrt3A : vector<1024x1xf32>
    %sqrt3A_149 = math.sqrt %slice3A_139 : vector<1024x1xf32>
    %mul3A_150 = arith.mulf %mul3A_148, %sqrt3A_149 : vector<1024x1xf32>
    %mul3A_151 = arith.mulf %mul3A_150, %mul3A_145 : vector<1024x1xf32>
    %sub3A_152 = arith.subf %transpose3A_48, %mul3A_151 : vector<1024x1xf32>
    %add3A_153 = arith.addf %sub3A_152, %slice3A_139 : vector<1024x1xf32>
    %get3A_154 = arith.constant 0 : index
    %get3A_155 = memref.load %arg9[%get3A_154] : memref<1xf32, #tpu.memory_space<smem>>
    %reduce_sum3A = vector.shape_cast %add3A_153 : vector<1024x1xf32> to vector<1x1024x1xf32>
    %reduce_sum3A_156 = arith.constant dense<0.000000e+00> : vector<1xf32>
    %reduce_sum3A_157 = vector.multi_reduction <add>, %reduce_sum3A, %reduce_sum3A_156 [1, 2] : vector<1x1024x1xf32> to vector<1xf32>
    %reduce_sum3A_158 = vector.shape_cast %reduce_sum3A_157 : vector<1xf32> to vector<1x1x1xf32>
    %reduce_sum3A_159 = vector.extract %reduce_sum3A_158[0, 0, 0] : f32 from vector<1x1x1xf32>
    %add3A_160 = arith.addf %get3A_155, %reduce_sum3A_159 : f32
    %swap3A_161 = arith.constant 0 : index
    %swap3A_162 = memref.load %arg9[%swap3A_161] : memref<1xf32, #tpu.memory_space<smem>>
    memref.store %add3A_160, %arg9[%swap3A_161] : memref<1xf32, #tpu.memory_space<smem>>
    %sub3A_163 = vector.broadcast %broadcast_in_dim3A : vector<1024x1xf32> to vector<1024x1024xf32>
    %sub3A_164 = arith.subf %sub3A_163, %sub3A : vector<1024x1024xf32>
    %exp3A = math.exp %sub3A_164 : vector<1024x1024xf32>
    %transpose3A_165 = tpu.transpose %exp3A, [1, 0] : vector<1024x1024xf32> -> vector<1024x1024xf32>
    %slice3A_166 = vector.extract_strided_slice %transpose3A_165 {offsets = [0, 0], sizes = [8, 1024], strides = [1, 1]} : vector<1024x1024xf32> to vector<8x1024xf32>
    %slice3A_167 = vector.extract_strided_slice %transpose3A_165 {offsets = [8, 0], sizes = [8, 1024], strides = [1, 1]} : vector<1024x1024xf32> to vector<8x1024xf32>
    %add3A_168 = arith.addf %slice3A_166, %slice3A_167 : vector<8x1024xf32>
    %slice3A_169 = vector.extract_strided_slice %transpose3A_165 {offsets = [16, 0], sizes = [8, 1024], strides = [1, 1]} : vector<1024x1024xf32> to vector<8x1024xf32>
    %add3A_170 = arith.addf %add3A_168, %slice3A_169 : vector<8x1024xf32>
    %slice3A_171 = vector.extract_strided_slice %transpose3A_165 {offsets = [24, 0], sizes = [8, 1024], strides = [1, 1]} : vector<1024x1024xf32> to vector<8x1024xf32>
    %add3A_172 = arith.addf %add3A_170, %slice3A_171 : vector<8x1024xf32>
    %slice3A_173 = vector.extract_strided_slice %transpose3A_165 {offsets = [32, 0], sizes = [8, 1024], strides = [1, 1]} : vector<1024x1024xf32> to vector<8x1024xf32>
    %add3A_174 = arith.addf %add3A_172, %slice3A_173 : vector<8x1024xf32>
    %slice3A_175 = vector.extract_strided_slice %transpose3A_165 {offsets = [40, 0], sizes = [8, 1024], strides = [1, 1]} : vector<1024x1024xf32> to vector<8x1024xf32>
    %add3A_176 = arith.addf %add3A_174, %slice3A_175 : vector<8x1024xf32>
    %slice3A_177 = vector.extract_strided_slice %transpose3A_165 {offsets = [48, 0], sizes = [8, 1024], strides = [1, 1]} : vector<1024x1024xf32> to vector<8x1024xf32>
    %add3A_178 = arith.addf %add3A_176, %slice3A_177 : vector<8x1024xf32>
    %slice3A_179 = vector.extract_strided_slice %transpose3A_165 {offsets = [56, 0], sizes = [8, 1024], strides = [1, 1]} : vector<1024x1024xf32> to vector<8x1024xf32>
    %add3A_180 = arith.addf %add3A_178, %slice3A_179 : vector<8x1024xf32>
    %slice3A_181 = vector.extract_strided_slice %transpose3A_165 {offsets = [64, 0], sizes = [8, 1024], strides = [1, 1]} : vector<1024x1024xf32> to vector<8x1024xf32>
    %add3A_182 = arith.addf %add3A_180, %slice3A_181 : vector<8x1024xf32>
    %slice3A_183 = vector.extract_strided_slice %transpose3A_165 {offsets = [72, 0], sizes = [8, 1024], strides = [1, 1]} : vector<1024x1024xf32> to vector<8x1024xf32>
    %add3A_184 = arith.addf %add3A_182, %slice3A_183 : vector<8x1024xf32>
    %slice3A_185 = vector.extract_strided_slice %transpose3A_165 {offsets = [80, 0], sizes = [8, 1024], strides = [1, 1]} : vector<1024x1024xf32> to vector<8x1024xf32>
    %add3A_186 = arith.addf %add3A_184, %slice3A_185 : vector<8x1024xf32>
    %slice3A_187 = vector.extract_strided_slice %transpose3A_165 {offsets = [88, 0], sizes = [8, 1024], strides = [1, 1]} : vector<1024x1024xf32> to vector<8x1024xf32>
    %add3A_188 = arith.addf %add3A_186, %slice3A_187 : vector<8x1024xf32>
    %slice3A_189 = vector.extract_strided_slice %transpose3A_165 {offsets = [96, 0], sizes = [8, 1024], strides = [1, 1]} : vector<1024x1024xf32> to vector<8x1024xf32>
    %add3A_190 = arith.addf %add3A_188, %slice3A_189 : vector<8x1024xf32>
    %slice3A_191 = vector.extract_strided_slice %transpose3A_165 {offsets = [104, 0], sizes = [8, 1024], strides = [1, 1]} : vector<1024x1024xf32> to vector<8x1024xf32>
    %add3A_192 = arith.addf %add3A_190, %slice3A_191 : vector<8x1024xf32>
    %slice3A_193 = vector.extract_strided_slice %transpose3A_165 {offsets = [112, 0], sizes = [8, 1024], strides = [1, 1]} : vector<1024x1024xf32> to vector<8x1024xf32>
    %add3A_194 = arith.addf %add3A_192, %slice3A_193 : vector<8x1024xf32>
    %slice3A_195 = vector.extract_strided_slice %transpose3A_165 {offsets = [120, 0], sizes = [8, 1024], strides = [1, 1]} : vector<1024x1024xf32> to vector<8x1024xf32>
    %add3A_196 = arith.addf %add3A_194, %slice3A_195 : vector<8x1024xf32>
    %slice3A_197 = vector.extract_strided_slice %transpose3A_165 {offsets = [128, 0], sizes = [8, 1024], strides = [1, 1]} : vector<1024x1024xf32> to vector<8x1024xf32>
    %add3A_198 = arith.addf %add3A_196, %slice3A_197 : vector<8x1024xf32>
    %slice3A_199 = vector.extract_strided_slice %transpose3A_165 {offsets = [136, 0], sizes = [8, 1024], strides = [1, 1]} : vector<1024x1024xf32> to vector<8x1024xf32>
    %add3A_200 = arith.addf %add3A_198, %slice3A_199 : vector<8x1024xf32>
    %slice3A_201 = vector.extract_strided_slice %transpose3A_165 {offsets = [144, 0], sizes = [8, 1024], strides = [1, 1]} : vector<1024x1024xf32> to vector<8x1024xf32>
    %add3A_202 = arith.addf %add3A_200, %slice3A_201 : vector<8x1024xf32>
    %slice3A_203 = vector.extract_strided_slice %transpose3A_165 {offsets = [152, 0], sizes = [8, 1024], strides = [1, 1]} : vector<1024x1024xf32> to vector<8x1024xf32>
    %add3A_204 = arith.addf %add3A_202, %slice3A_203 : vector<8x1024xf32>
    %slice3A_205 = vector.extract_strided_slice %transpose3A_165 {offsets = [160, 0], sizes = [8, 1024], strides = [1, 1]} : vector<1024x1024xf32> to vector<8x1024xf32>
    %add3A_206 = arith.addf %add3A_204, %slice3A_205 : vector<8x1024xf32>
    %slice3A_207 = vector.extract_strided_slice %transpose3A_165 {offsets = [168, 0], sizes = [8, 1024], strides = [1, 1]} : vector<1024x1024xf32> to vector<8x1024xf32>
    %add3A_208 = arith.addf %add3A_206, %slice3A_207 : vector<8x1024xf32>
    %slice3A_209 = vector.extract_strided_slice %transpose3A_165 {offsets = [176, 0], sizes = [8, 1024], strides = [1, 1]} : vector<1024x1024xf32> to vector<8x1024xf32>
    %add3A_210 = arith.addf %add3A_208, %slice3A_209 : vector<8x1024xf32>
    %slice3A_211 = vector.extract_strided_slice %transpose3A_165 {offsets = [184, 0], sizes = [8, 1024], strides = [1, 1]} : vector<1024x1024xf32> to vector<8x1024xf32>
    %add3A_212 = arith.addf %add3A_210, %slice3A_211 : vector<8x1024xf32>
    %slice3A_213 = vector.extract_strided_slice %transpose3A_165 {offsets = [192, 0], sizes = [8, 1024], strides = [1, 1]} : vector<1024x1024xf32> to vector<8x1024xf32>
    %add3A_214 = arith.addf %add3A_212, %slice3A_213 : vector<8x1024xf32>
    %slice3A_215 = vector.extract_strided_slice %transpose3A_165 {offsets = [200, 0], sizes = [8, 1024], strides = [1, 1]} : vector<1024x1024xf32> to vector<8x1024xf32>
    %add3A_216 = arith.addf %add3A_214, %slice3A_215 : vector<8x1024xf32>
    %slice3A_217 = vector.extract_strided_slice %transpose3A_165 {offsets = [208, 0], sizes = [8, 1024], strides = [1, 1]} : vector<1024x1024xf32> to vector<8x1024xf32>
    %add3A_218 = arith.addf %add3A_216, %slice3A_217 : vector<8x1024xf32>
    %slice3A_219 = vector.extract_strided_slice %transpose3A_165 {offsets = [216, 0], sizes = [8, 1024], strides = [1, 1]} : vector<1024x1024xf32> to vector<8x1024xf32>
    %add3A_220 = arith.addf %add3A_218, %slice3A_219 : vector<8x1024xf32>
    %slice3A_221 = vector.extract_strided_slice %transpose3A_165 {offsets = [224, 0], sizes = [8, 1024], strides = [1, 1]} : vector<1024x1024xf32> to vector<8x1024xf32>
    %add3A_222 = arith.addf %add3A_220, %slice3A_221 : vector<8x1024xf32>
    %slice3A_223 = vector.extract_strided_slice %transpose3A_165 {offsets = [232, 0], sizes = [8, 1024], strides = [1, 1]} : vector<1024x1024xf32> to vector<8x1024xf32>
    %add3A_224 = arith.addf %add3A_222, %slice3A_223 : vector<8x1024xf32>
    %slice3A_225 = vector.extract_strided_slice %transpose3A_165 {offsets = [240, 0], sizes = [8, 1024], strides = [1, 1]} : vector<1024x1024xf32> to vector<8x1024xf32>
    %add3A_226 = arith.addf %add3A_224, %slice3A_225 : vector<8x1024xf32>
    %slice3A_227 = vector.extract_strided_slice %transpose3A_165 {offsets = [248, 0], sizes = [8, 1024], strides = [1, 1]} : vector<1024x1024xf32> to vector<8x1024xf32>
    %add3A_228 = arith.addf %add3A_226, %slice3A_227 : vector<8x1024xf32>
    %slice3A_229 = vector.extract_strided_slice %transpose3A_165 {offsets = [256, 0], sizes = [8, 1024], strides = [1, 1]} : vector<1024x1024xf32> to vector<8x1024xf32>
    %add3A_230 = arith.addf %add3A_228, %slice3A_229 : vector<8x1024xf32>
    %slice3A_231 = vector.extract_strided_slice %transpose3A_165 {offsets = [264, 0], sizes = [8, 1024], strides = [1, 1]} : vector<1024x1024xf32> to vector<8x1024xf32>
    %add3A_232 = arith.addf %add3A_230, %slice3A_231 : vector<8x1024xf32>
    %slice3A_233 = vector.extract_strided_slice %transpose3A_165 {offsets = [272, 0], sizes = [8, 1024], strides = [1, 1]} : vector<1024x1024xf32> to vector<8x1024xf32>
    %add3A_234 = arith.addf %add3A_232, %slice3A_233 : vector<8x1024xf32>
    %slice3A_235 = vector.extract_strided_slice %transpose3A_165 {offsets = [280, 0], sizes = [8, 1024], strides = [1, 1]} : vector<1024x1024xf32> to vector<8x1024xf32>
    %add3A_236 = arith.addf %add3A_234, %slice3A_235 : vector<8x1024xf32>
    %slice3A_237 = vector.extract_strided_slice %transpose3A_165 {offsets = [288, 0], sizes = [8, 1024], strides = [1, 1]} : vector<1024x1024xf32> to vector<8x1024xf32>
    %add3A_238 = arith.addf %add3A_236, %slice3A_237 : vector<8x1024xf32>
    %slice3A_239 = vector.extract_strided_slice %transpose3A_165 {offsets = [296, 0], sizes = [8, 1024], strides = [1, 1]} : vector<1024x1024xf32> to vector<8x1024xf32>
    %add3A_240 = arith.addf %add3A_238, %slice3A_239 : vector<8x1024xf32>
    %slice3A_241 = vector.extract_strided_slice %transpose3A_165 {offsets = [304, 0], sizes = [8, 1024], strides = [1, 1]} : vector<1024x1024xf32> to vector<8x1024xf32>
    %add3A_242 = arith.addf %add3A_240, %slice3A_241 : vector<8x1024xf32>
    %slice3A_243 = vector.extract_strided_slice %transpose3A_165 {offsets = [312, 0], sizes = [8, 1024], strides = [1, 1]} : vector<1024x1024xf32> to vector<8x1024xf32>
    %add3A_244 = arith.addf %add3A_242, %slice3A_243 : vector<8x1024xf32>
    %slice3A_245 = vector.extract_strided_slice %transpose3A_165 {offsets = [320, 0], sizes = [8, 1024], strides = [1, 1]} : vector<1024x1024xf32> to vector<8x1024xf32>
    %add3A_246 = arith.addf %add3A_244, %slice3A_245 : vector<8x1024xf32>
    %slice3A_247 = vector.extract_strided_slice %transpose3A_165 {offsets = [328, 0], sizes = [8, 1024], strides = [1, 1]} : vector<1024x1024xf32> to vector<8x1024xf32>
    %add3A_248 = arith.addf %add3A_246, %slice3A_247 : vector<8x1024xf32>
    %slice3A_249 = vector.extract_strided_slice %transpose3A_165 {offsets = [336, 0], sizes = [8, 1024], strides = [1, 1]} : vector<1024x1024xf32> to vector<8x1024xf32>
    %add3A_250 = arith.addf %add3A_248, %slice3A_249 : vector<8x1024xf32>
    %slice3A_251 = vector.extract_strided_slice %transpose3A_165 {offsets = [344, 0], sizes = [8, 1024], strides = [1, 1]} : vector<1024x1024xf32> to vector<8x1024xf32>
    %add3A_252 = arith.addf %add3A_250, %slice3A_251 : vector<8x1024xf32>
    %slice3A_253 = vector.extract_strided_slice %transpose3A_165 {offsets = [352, 0], sizes = [8, 1024], strides = [1, 1]} : vector<1024x1024xf32> to vector<8x1024xf32>
    %add3A_254 = arith.addf %add3A_252, %slice3A_253 : vector<8x1024xf32>
    %slice3A_255 = vector.extract_strided_slice %transpose3A_165 {offsets = [360, 0], sizes = [8, 1024], strides = [1, 1]} : vector<1024x1024xf32> to vector<8x1024xf32>
    %add3A_256 = arith.addf %add3A_254, %slice3A_255 : vector<8x1024xf32>
    %slice3A_257 = vector.extract_strided_slice %transpose3A_165 {offsets = [368, 0], sizes = [8, 1024], strides = [1, 1]} : vector<1024x1024xf32> to vector<8x1024xf32>
    %add3A_258 = arith.addf %add3A_256, %slice3A_257 : vector<8x1024xf32>
    %slice3A_259 = vector.extract_strided_slice %transpose3A_165 {offsets = [376, 0], sizes = [8, 1024], strides = [1, 1]} : vector<1024x1024xf32> to vector<8x1024xf32>
    %add3A_260 = arith.addf %add3A_258, %slice3A_259 : vector<8x1024xf32>
    %slice3A_261 = vector.extract_strided_slice %transpose3A_165 {offsets = [384, 0], sizes = [8, 1024], strides = [1, 1]} : vector<1024x1024xf32> to vector<8x1024xf32>
    %add3A_262 = arith.addf %add3A_260, %slice3A_261 : vector<8x1024xf32>
    %slice3A_263 = vector.extract_strided_slice %transpose3A_165 {offsets = [392, 0], sizes = [8, 1024], strides = [1, 1]} : vector<1024x1024xf32> to vector<8x1024xf32>
    %add3A_264 = arith.addf %add3A_262, %slice3A_263 : vector<8x1024xf32>
    %slice3A_265 = vector.extract_strided_slice %transpose3A_165 {offsets = [400, 0], sizes = [8, 1024], strides = [1, 1]} : vector<1024x1024xf32> to vector<8x1024xf32>
    %add3A_266 = arith.addf %add3A_264, %slice3A_265 : vector<8x1024xf32>
    %slice3A_267 = vector.extract_strided_slice %transpose3A_165 {offsets = [408, 0], sizes = [8, 1024], strides = [1, 1]} : vector<1024x1024xf32> to vector<8x1024xf32>
    %add3A_268 = arith.addf %add3A_266, %slice3A_267 : vector<8x1024xf32>
    %slice3A_269 = vector.extract_strided_slice %transpose3A_165 {offsets = [416, 0], sizes = [8, 1024], strides = [1, 1]} : vector<1024x1024xf32> to vector<8x1024xf32>
    %add3A_270 = arith.addf %add3A_268, %slice3A_269 : vector<8x1024xf32>
    %slice3A_271 = vector.extract_strided_slice %transpose3A_165 {offsets = [424, 0], sizes = [8, 1024], strides = [1, 1]} : vector<1024x1024xf32> to vector<8x1024xf32>
    %add3A_272 = arith.addf %add3A_270, %slice3A_271 : vector<8x1024xf32>
    %slice3A_273 = vector.extract_strided_slice %transpose3A_165 {offsets = [432, 0], sizes = [8, 1024], strides = [1, 1]} : vector<1024x1024xf32> to vector<8x1024xf32>
    %add3A_274 = arith.addf %add3A_272, %slice3A_273 : vector<8x1024xf32>
    %slice3A_275 = vector.extract_strided_slice %transpose3A_165 {offsets = [440, 0], sizes = [8, 1024], strides = [1, 1]} : vector<1024x1024xf32> to vector<8x1024xf32>
    %add3A_276 = arith.addf %add3A_274, %slice3A_275 : vector<8x1024xf32>
    %slice3A_277 = vector.extract_strided_slice %transpose3A_165 {offsets = [448, 0], sizes = [8, 1024], strides = [1, 1]} : vector<1024x1024xf32> to vector<8x1024xf32>
    %add3A_278 = arith.addf %add3A_276, %slice3A_277 : vector<8x1024xf32>
    %slice3A_279 = vector.extract_strided_slice %transpose3A_165 {offsets = [456, 0], sizes = [8, 1024], strides = [1, 1]} : vector<1024x1024xf32> to vector<8x1024xf32>
    %add3A_280 = arith.addf %add3A_278, %slice3A_279 : vector<8x1024xf32>
    %slice3A_281 = vector.extract_strided_slice %transpose3A_165 {offsets = [464, 0], sizes = [8, 1024], strides = [1, 1]} : vector<1024x1024xf32> to vector<8x1024xf32>
    %add3A_282 = arith.addf %add3A_280, %slice3A_281 : vector<8x1024xf32>
    %slice3A_283 = vector.extract_strided_slice %transpose3A_165 {offsets = [472, 0], sizes = [8, 1024], strides = [1, 1]} : vector<1024x1024xf32> to vector<8x1024xf32>
    %add3A_284 = arith.addf %add3A_282, %slice3A_283 : vector<8x1024xf32>
    %slice3A_285 = vector.extract_strided_slice %transpose3A_165 {offsets = [480, 0], sizes = [8, 1024], strides = [1, 1]} : vector<1024x1024xf32> to vector<8x1024xf32>
    %add3A_286 = arith.addf %add3A_284, %slice3A_285 : vector<8x1024xf32>
    %slice3A_287 = vector.extract_strided_slice %transpose3A_165 {offsets = [488, 0], sizes = [8, 1024], strides = [1, 1]} : vector<1024x1024xf32> to vector<8x1024xf32>
    %add3A_288 = arith.addf %add3A_286, %slice3A_287 : vector<8x1024xf32>
    %slice3A_289 = vector.extract_strided_slice %transpose3A_165 {offsets = [496, 0], sizes = [8, 1024], strides = [1, 1]} : vector<1024x1024xf32> to vector<8x1024xf32>
    %add3A_290 = arith.addf %add3A_288, %slice3A_289 : vector<8x1024xf32>
    %slice3A_291 = vector.extract_strided_slice %transpose3A_165 {offsets = [504, 0], sizes = [8, 1024], strides = [1, 1]} : vector<1024x1024xf32> to vector<8x1024xf32>
    %add3A_292 = arith.addf %add3A_290, %slice3A_291 : vector<8x1024xf32>
    %slice3A_293 = vector.extract_strided_slice %transpose3A_165 {offsets = [512, 0], sizes = [8, 1024], strides = [1, 1]} : vector<1024x1024xf32> to vector<8x1024xf32>
    %add3A_294 = arith.addf %add3A_292, %slice3A_293 : vector<8x1024xf32>
    %slice3A_295 = vector.extract_strided_slice %transpose3A_165 {offsets = [520, 0], sizes = [8, 1024], strides = [1, 1]} : vector<1024x1024xf32> to vector<8x1024xf32>
    %add3A_296 = arith.addf %add3A_294, %slice3A_295 : vector<8x1024xf32>
    %slice3A_297 = vector.extract_strided_slice %transpose3A_165 {offsets = [528, 0], sizes = [8, 1024], strides = [1, 1]} : vector<1024x1024xf32> to vector<8x1024xf32>
    %add3A_298 = arith.addf %add3A_296, %slice3A_297 : vector<8x1024xf32>
    %slice3A_299 = vector.extract_strided_slice %transpose3A_165 {offsets = [536, 0], sizes = [8, 1024], strides = [1, 1]} : vector<1024x1024xf32> to vector<8x1024xf32>
    %add3A_300 = arith.addf %add3A_298, %slice3A_299 : vector<8x1024xf32>
    %slice3A_301 = vector.extract_strided_slice %transpose3A_165 {offsets = [544, 0], sizes = [8, 1024], strides = [1, 1]} : vector<1024x1024xf32> to vector<8x1024xf32>
    %add3A_302 = arith.addf %add3A_300, %slice3A_301 : vector<8x1024xf32>
    %slice3A_303 = vector.extract_strided_slice %transpose3A_165 {offsets = [552, 0], sizes = [8, 1024], strides = [1, 1]} : vector<1024x1024xf32> to vector<8x1024xf32>
    %add3A_304 = arith.addf %add3A_302, %slice3A_303 : vector<8x1024xf32>
    %slice3A_305 = vector.extract_strided_slice %transpose3A_165 {offsets = [560, 0], sizes = [8, 1024], strides = [1, 1]} : vector<1024x1024xf32> to vector<8x1024xf32>
    %add3A_306 = arith.addf %add3A_304, %slice3A_305 : vector<8x1024xf32>
    %slice3A_307 = vector.extract_strided_slice %transpose3A_165 {offsets = [568, 0], sizes = [8, 1024], strides = [1, 1]} : vector<1024x1024xf32> to vector<8x1024xf32>
    %add3A_308 = arith.addf %add3A_306, %slice3A_307 : vector<8x1024xf32>
    %slice3A_309 = vector.extract_strided_slice %transpose3A_165 {offsets = [576, 0], sizes = [8, 1024], strides = [1, 1]} : vector<1024x1024xf32> to vector<8x1024xf32>
    %add3A_310 = arith.addf %add3A_308, %slice3A_309 : vector<8x1024xf32>
    %slice3A_311 = vector.extract_strided_slice %transpose3A_165 {offsets = [584, 0], sizes = [8, 1024], strides = [1, 1]} : vector<1024x1024xf32> to vector<8x1024xf32>
    %add3A_312 = arith.addf %add3A_310, %slice3A_311 : vector<8x1024xf32>
    %slice3A_313 = vector.extract_strided_slice %transpose3A_165 {offsets = [592, 0], sizes = [8, 1024], strides = [1, 1]} : vector<1024x1024xf32> to vector<8x1024xf32>
    %add3A_314 = arith.addf %add3A_312, %slice3A_313 : vector<8x1024xf32>
    %slice3A_315 = vector.extract_strided_slice %transpose3A_165 {offsets = [600, 0], sizes = [8, 1024], strides = [1, 1]} : vector<1024x1024xf32> to vector<8x1024xf32>
    %add3A_316 = arith.addf %add3A_314, %slice3A_315 : vector<8x1024xf32>
    %slice3A_317 = vector.extract_strided_slice %transpose3A_165 {offsets = [608, 0], sizes = [8, 1024], strides = [1, 1]} : vector<1024x1024xf32> to vector<8x1024xf32>
    %add3A_318 = arith.addf %add3A_316, %slice3A_317 : vector<8x1024xf32>
    %slice3A_319 = vector.extract_strided_slice %transpose3A_165 {offsets = [616, 0], sizes = [8, 1024], strides = [1, 1]} : vector<1024x1024xf32> to vector<8x1024xf32>
    %add3A_320 = arith.addf %add3A_318, %slice3A_319 : vector<8x1024xf32>
    %slice3A_321 = vector.extract_strided_slice %transpose3A_165 {offsets = [624, 0], sizes = [8, 1024], strides = [1, 1]} : vector<1024x1024xf32> to vector<8x1024xf32>
    %add3A_322 = arith.addf %add3A_320, %slice3A_321 : vector<8x1024xf32>
    %slice3A_323 = vector.extract_strided_slice %transpose3A_165 {offsets = [632, 0], sizes = [8, 1024], strides = [1, 1]} : vector<1024x1024xf32> to vector<8x1024xf32>
    %add3A_324 = arith.addf %add3A_322, %slice3A_323 : vector<8x1024xf32>
    %slice3A_325 = vector.extract_strided_slice %transpose3A_165 {offsets = [640, 0], sizes = [8, 1024], strides = [1, 1]} : vector<1024x1024xf32> to vector<8x1024xf32>
    %add3A_326 = arith.addf %add3A_324, %slice3A_325 : vector<8x1024xf32>
    %slice3A_327 = vector.extract_strided_slice %transpose3A_165 {offsets = [648, 0], sizes = [8, 1024], strides = [1, 1]} : vector<1024x1024xf32> to vector<8x1024xf32>
    %add3A_328 = arith.addf %add3A_326, %slice3A_327 : vector<8x1024xf32>
    %slice3A_329 = vector.extract_strided_slice %transpose3A_165 {offsets = [656, 0], sizes = [8, 1024], strides = [1, 1]} : vector<1024x1024xf32> to vector<8x1024xf32>
    %add3A_330 = arith.addf %add3A_328, %slice3A_329 : vector<8x1024xf32>
    %slice3A_331 = vector.extract_strided_slice %transpose3A_165 {offsets = [664, 0], sizes = [8, 1024], strides = [1, 1]} : vector<1024x1024xf32> to vector<8x1024xf32>
    %add3A_332 = arith.addf %add3A_330, %slice3A_331 : vector<8x1024xf32>
    %slice3A_333 = vector.extract_strided_slice %transpose3A_165 {offsets = [672, 0], sizes = [8, 1024], strides = [1, 1]} : vector<1024x1024xf32> to vector<8x1024xf32>
    %add3A_334 = arith.addf %add3A_332, %slice3A_333 : vector<8x1024xf32>
    %slice3A_335 = vector.extract_strided_slice %transpose3A_165 {offsets = [680, 0], sizes = [8, 1024], strides = [1, 1]} : vector<1024x1024xf32> to vector<8x1024xf32>
    %add3A_336 = arith.addf %add3A_334, %slice3A_335 : vector<8x1024xf32>
    %slice3A_337 = vector.extract_strided_slice %transpose3A_165 {offsets = [688, 0], sizes = [8, 1024], strides = [1, 1]} : vector<1024x1024xf32> to vector<8x1024xf32>
    %add3A_338 = arith.addf %add3A_336, %slice3A_337 : vector<8x1024xf32>
    %slice3A_339 = vector.extract_strided_slice %transpose3A_165 {offsets = [696, 0], sizes = [8, 1024], strides = [1, 1]} : vector<1024x1024xf32> to vector<8x1024xf32>
    %add3A_340 = arith.addf %add3A_338, %slice3A_339 : vector<8x1024xf32>
    %slice3A_341 = vector.extract_strided_slice %transpose3A_165 {offsets = [704, 0], sizes = [8, 1024], strides = [1, 1]} : vector<1024x1024xf32> to vector<8x1024xf32>
    %add3A_342 = arith.addf %add3A_340, %slice3A_341 : vector<8x1024xf32>
    %slice3A_343 = vector.extract_strided_slice %transpose3A_165 {offsets = [712, 0], sizes = [8, 1024], strides = [1, 1]} : vector<1024x1024xf32> to vector<8x1024xf32>
    %add3A_344 = arith.addf %add3A_342, %slice3A_343 : vector<8x1024xf32>
    %slice3A_345 = vector.extract_strided_slice %transpose3A_165 {offsets = [720, 0], sizes = [8, 1024], strides = [1, 1]} : vector<1024x1024xf32> to vector<8x1024xf32>
    %add3A_346 = arith.addf %add3A_344, %slice3A_345 : vector<8x1024xf32>
    %slice3A_347 = vector.extract_strided_slice %transpose3A_165 {offsets = [728, 0], sizes = [8, 1024], strides = [1, 1]} : vector<1024x1024xf32> to vector<8x1024xf32>
    %add3A_348 = arith.addf %add3A_346, %slice3A_347 : vector<8x1024xf32>
    %slice3A_349 = vector.extract_strided_slice %transpose3A_165 {offsets = [736, 0], sizes = [8, 1024], strides = [1, 1]} : vector<1024x1024xf32> to vector<8x1024xf32>
    %add3A_350 = arith.addf %add3A_348, %slice3A_349 : vector<8x1024xf32>
    %slice3A_351 = vector.extract_strided_slice %transpose3A_165 {offsets = [744, 0], sizes = [8, 1024], strides = [1, 1]} : vector<1024x1024xf32> to vector<8x1024xf32>
    %add3A_352 = arith.addf %add3A_350, %slice3A_351 : vector<8x1024xf32>
    %slice3A_353 = vector.extract_strided_slice %transpose3A_165 {offsets = [752, 0], sizes = [8, 1024], strides = [1, 1]} : vector<1024x1024xf32> to vector<8x1024xf32>
    %add3A_354 = arith.addf %add3A_352, %slice3A_353 : vector<8x1024xf32>
    %slice3A_355 = vector.extract_strided_slice %transpose3A_165 {offsets = [760, 0], sizes = [8, 1024], strides = [1, 1]} : vector<1024x1024xf32> to vector<8x1024xf32>
    %add3A_356 = arith.addf %add3A_354, %slice3A_355 : vector<8x1024xf32>
    %slice3A_357 = vector.extract_strided_slice %transpose3A_165 {offsets = [768, 0], sizes = [8, 1024], strides = [1, 1]} : vector<1024x1024xf32> to vector<8x1024xf32>
    %add3A_358 = arith.addf %add3A_356, %slice3A_357 : vector<8x1024xf32>
    %slice3A_359 = vector.extract_strided_slice %transpose3A_165 {offsets = [776, 0], sizes = [8, 1024], strides = [1, 1]} : vector<1024x1024xf32> to vector<8x1024xf32>
    %add3A_360 = arith.addf %add3A_358, %slice3A_359 : vector<8x1024xf32>
    %slice3A_361 = vector.extract_strided_slice %transpose3A_165 {offsets = [784, 0], sizes = [8, 1024], strides = [1, 1]} : vector<1024x1024xf32> to vector<8x1024xf32>
    %add3A_362 = arith.addf %add3A_360, %slice3A_361 : vector<8x1024xf32>
    %slice3A_363 = vector.extract_strided_slice %transpose3A_165 {offsets = [792, 0], sizes = [8, 1024], strides = [1, 1]} : vector<1024x1024xf32> to vector<8x1024xf32>
    %add3A_364 = arith.addf %add3A_362, %slice3A_363 : vector<8x1024xf32>
    %slice3A_365 = vector.extract_strided_slice %transpose3A_165 {offsets = [800, 0], sizes = [8, 1024], strides = [1, 1]} : vector<1024x1024xf32> to vector<8x1024xf32>
    %add3A_366 = arith.addf %add3A_364, %slice3A_365 : vector<8x1024xf32>
    %slice3A_367 = vector.extract_strided_slice %transpose3A_165 {offsets = [808, 0], sizes = [8, 1024], strides = [1, 1]} : vector<1024x1024xf32> to vector<8x1024xf32>
    %add3A_368 = arith.addf %add3A_366, %slice3A_367 : vector<8x1024xf32>
    %slice3A_369 = vector.extract_strided_slice %transpose3A_165 {offsets = [816, 0], sizes = [8, 1024], strides = [1, 1]} : vector<1024x1024xf32> to vector<8x1024xf32>
    %add3A_370 = arith.addf %add3A_368, %slice3A_369 : vector<8x1024xf32>
    %slice3A_371 = vector.extract_strided_slice %transpose3A_165 {offsets = [824, 0], sizes = [8, 1024], strides = [1, 1]} : vector<1024x1024xf32> to vector<8x1024xf32>
    %add3A_372 = arith.addf %add3A_370, %slice3A_371 : vector<8x1024xf32>
    %slice3A_373 = vector.extract_strided_slice %transpose3A_165 {offsets = [832, 0], sizes = [8, 1024], strides = [1, 1]} : vector<1024x1024xf32> to vector<8x1024xf32>
    %add3A_374 = arith.addf %add3A_372, %slice3A_373 : vector<8x1024xf32>
    %slice3A_375 = vector.extract_strided_slice %transpose3A_165 {offsets = [840, 0], sizes = [8, 1024], strides = [1, 1]} : vector<1024x1024xf32> to vector<8x1024xf32>
    %add3A_376 = arith.addf %add3A_374, %slice3A_375 : vector<8x1024xf32>
    %slice3A_377 = vector.extract_strided_slice %transpose3A_165 {offsets = [848, 0], sizes = [8, 1024], strides = [1, 1]} : vector<1024x1024xf32> to vector<8x1024xf32>
    %add3A_378 = arith.addf %add3A_376, %slice3A_377 : vector<8x1024xf32>
    %slice3A_379 = vector.extract_strided_slice %transpose3A_165 {offsets = [856, 0], sizes = [8, 1024], strides = [1, 1]} : vector<1024x1024xf32> to vector<8x1024xf32>
    %add3A_380 = arith.addf %add3A_378, %slice3A_379 : vector<8x1024xf32>
    %slice3A_381 = vector.extract_strided_slice %transpose3A_165 {offsets = [864, 0], sizes = [8, 1024], strides = [1, 1]} : vector<1024x1024xf32> to vector<8x1024xf32>
    %add3A_382 = arith.addf %add3A_380, %slice3A_381 : vector<8x1024xf32>
    %slice3A_383 = vector.extract_strided_slice %transpose3A_165 {offsets = [872, 0], sizes = [8, 1024], strides = [1, 1]} : vector<1024x1024xf32> to vector<8x1024xf32>
    %add3A_384 = arith.addf %add3A_382, %slice3A_383 : vector<8x1024xf32>
    %slice3A_385 = vector.extract_strided_slice %transpose3A_165 {offsets = [880, 0], sizes = [8, 1024], strides = [1, 1]} : vector<1024x1024xf32> to vector<8x1024xf32>
    %add3A_386 = arith.addf %add3A_384, %slice3A_385 : vector<8x1024xf32>
    %slice3A_387 = vector.extract_strided_slice %transpose3A_165 {offsets = [888, 0], sizes = [8, 1024], strides = [1, 1]} : vector<1024x1024xf32> to vector<8x1024xf32>
    %add3A_388 = arith.addf %add3A_386, %slice3A_387 : vector<8x1024xf32>
    %slice3A_389 = vector.extract_strided_slice %transpose3A_165 {offsets = [896, 0], sizes = [8, 1024], strides = [1, 1]} : vector<1024x1024xf32> to vector<8x1024xf32>
    %add3A_390 = arith.addf %add3A_388, %slice3A_389 : vector<8x1024xf32>
    %slice3A_391 = vector.extract_strided_slice %transpose3A_165 {offsets = [904, 0], sizes = [8, 1024], strides = [1, 1]} : vector<1024x1024xf32> to vector<8x1024xf32>
    %add3A_392 = arith.addf %add3A_390, %slice3A_391 : vector<8x1024xf32>
    %slice3A_393 = vector.extract_strided_slice %transpose3A_165 {offsets = [912, 0], sizes = [8, 1024], strides = [1, 1]} : vector<1024x1024xf32> to vector<8x1024xf32>
    %add3A_394 = arith.addf %add3A_392, %slice3A_393 : vector<8x1024xf32>
    %slice3A_395 = vector.extract_strided_slice %transpose3A_165 {offsets = [920, 0], sizes = [8, 1024], strides = [1, 1]} : vector<1024x1024xf32> to vector<8x1024xf32>
    %add3A_396 = arith.addf %add3A_394, %slice3A_395 : vector<8x1024xf32>
    %slice3A_397 = vector.extract_strided_slice %transpose3A_165 {offsets = [928, 0], sizes = [8, 1024], strides = [1, 1]} : vector<1024x1024xf32> to vector<8x1024xf32>
    %add3A_398 = arith.addf %add3A_396, %slice3A_397 : vector<8x1024xf32>
    %slice3A_399 = vector.extract_strided_slice %transpose3A_165 {offsets = [936, 0], sizes = [8, 1024], strides = [1, 1]} : vector<1024x1024xf32> to vector<8x1024xf32>
    %add3A_400 = arith.addf %add3A_398, %slice3A_399 : vector<8x1024xf32>
    %slice3A_401 = vector.extract_strided_slice %transpose3A_165 {offsets = [944, 0], sizes = [8, 1024], strides = [1, 1]} : vector<1024x1024xf32> to vector<8x1024xf32>
    %add3A_402 = arith.addf %add3A_400, %slice3A_401 : vector<8x1024xf32>
    %slice3A_403 = vector.extract_strided_slice %transpose3A_165 {offsets = [952, 0], sizes = [8, 1024], strides = [1, 1]} : vector<1024x1024xf32> to vector<8x1024xf32>
    %add3A_404 = arith.addf %add3A_402, %slice3A_403 : vector<8x1024xf32>
    %slice3A_405 = vector.extract_strided_slice %transpose3A_165 {offsets = [960, 0], sizes = [8, 1024], strides = [1, 1]} : vector<1024x1024xf32> to vector<8x1024xf32>
    %add3A_406 = arith.addf %add3A_404, %slice3A_405 : vector<8x1024xf32>
    %slice3A_407 = vector.extract_strided_slice %transpose3A_165 {offsets = [968, 0], sizes = [8, 1024], strides = [1, 1]} : vector<1024x1024xf32> to vector<8x1024xf32>
    %add3A_408 = arith.addf %add3A_406, %slice3A_407 : vector<8x1024xf32>
    %slice3A_409 = vector.extract_strided_slice %transpose3A_165 {offsets = [976, 0], sizes = [8, 1024], strides = [1, 1]} : vector<1024x1024xf32> to vector<8x1024xf32>
    %add3A_410 = arith.addf %add3A_408, %slice3A_409 : vector<8x1024xf32>
    %slice3A_411 = vector.extract_strided_slice %transpose3A_165 {offsets = [984, 0], sizes = [8, 1024], strides = [1, 1]} : vector<1024x1024xf32> to vector<8x1024xf32>
    %add3A_412 = arith.addf %add3A_410, %slice3A_411 : vector<8x1024xf32>
    %slice3A_413 = vector.extract_strided_slice %transpose3A_165 {offsets = [992, 0], sizes = [8, 1024], strides = [1, 1]} : vector<1024x1024xf32> to vector<8x1024xf32>
    %add3A_414 = arith.addf %add3A_412, %slice3A_413 : vector<8x1024xf32>
    %slice3A_415 = vector.extract_strided_slice %transpose3A_165 {offsets = [1000, 0], sizes = [8, 1024], strides = [1, 1]} : vector<1024x1024xf32> to vector<8x1024xf32>
    %add3A_416 = arith.addf %add3A_414, %slice3A_415 : vector<8x1024xf32>
    %slice3A_417 = vector.extract_strided_slice %transpose3A_165 {offsets = [1008, 0], sizes = [8, 1024], strides = [1, 1]} : vector<1024x1024xf32> to vector<8x1024xf32>
    %add3A_418 = arith.addf %add3A_416, %slice3A_417 : vector<8x1024xf32>
    %slice3A_419 = vector.extract_strided_slice %transpose3A_165 {offsets = [1016, 0], sizes = [8, 1024], strides = [1, 1]} : vector<1024x1024xf32> to vector<8x1024xf32>
    %add3A_420 = arith.addf %add3A_418, %slice3A_419 : vector<8x1024xf32>
    %slice3A_421 = vector.extract_strided_slice %add3A_420 {offsets = [0, 0], sizes = [1, 1024], strides = [1, 1]} : vector<8x1024xf32> to vector<1x1024xf32>
    %slice3A_422 = vector.extract_strided_slice %add3A_420 {offsets = [4, 0], sizes = [1, 1024], strides = [1, 1]} : vector<8x1024xf32> to vector<1x1024xf32>
    %add3A_423 = arith.addf %slice3A_421, %slice3A_422 : vector<1x1024xf32>
    %slice3A_424 = vector.extract_strided_slice %add3A_420 {offsets = [2, 0], sizes = [1, 1024], strides = [1, 1]} : vector<8x1024xf32> to vector<1x1024xf32>
    %slice3A_425 = vector.extract_strided_slice %add3A_420 {offsets = [6, 0], sizes = [1, 1024], strides = [1, 1]} : vector<8x1024xf32> to vector<1x1024xf32>
    %add3A_426 = arith.addf %slice3A_424, %slice3A_425 : vector<1x1024xf32>
    %slice3A_427 = vector.extract_strided_slice %add3A_420 {offsets = [1, 0], sizes = [1, 1024], strides = [1, 1]} : vector<8x1024xf32> to vector<1x1024xf32>
    %slice3A_428 = vector.extract_strided_slice %add3A_420 {offsets = [5, 0], sizes = [1, 1024], strides = [1, 1]} : vector<8x1024xf32> to vector<1x1024xf32>
    %add3A_429 = arith.addf %slice3A_427, %slice3A_428 : vector<1x1024xf32>
    %slice3A_430 = vector.extract_strided_slice %add3A_420 {offsets = [3, 0], sizes = [1, 1024], strides = [1, 1]} : vector<8x1024xf32> to vector<1x1024xf32>
    %slice3A_431 = vector.extract_strided_slice %add3A_420 {offsets = [7, 0], sizes = [1, 1024], strides = [1, 1]} : vector<8x1024xf32> to vector<1x1024xf32>
    %add3A_432 = arith.addf %slice3A_430, %slice3A_431 : vector<1x1024xf32>
    %add3A_433 = arith.addf %add3A_423, %add3A_426 : vector<1x1024xf32>
    %add3A_434 = arith.addf %add3A_429, %add3A_432 : vector<1x1024xf32>
    %add3A_435 = arith.addf %add3A_433, %add3A_434 : vector<1x1024xf32>
    %transpose3A_436 = tpu.transpose %add3A_435, [1, 0] : vector<1x1024xf32> -> vector<1024x1xf32>
    %div3A_437 = vector.broadcast %transpose3A_436 : vector<1024x1xf32> to vector<1024x1024xf32>
    %div3A_438 = arith.divf %exp3A, %div3A_437 : vector<1024x1024xf32>
    %slice3A_439 = vector.extract_strided_slice %div3A_438 {offsets = [0, 0], sizes = [128, 1024], strides = [1, 1]} : vector<1024x1024xf32> to vector<128x1024xf32>
    %slice3A_440 = vector.extract_strided_slice %div3A_438 {offsets = [128, 0], sizes = [128, 1024], strides = [1, 1]} : vector<1024x1024xf32> to vector<128x1024xf32>
    %add3A_441 = arith.addf %slice3A_439, %slice3A_440 : vector<128x1024xf32>
    %slice3A_442 = vector.extract_strided_slice %div3A_438 {offsets = [256, 0], sizes = [128, 1024], strides = [1, 1]} : vector<1024x1024xf32> to vector<128x1024xf32>
    %add3A_443 = arith.addf %add3A_441, %slice3A_442 : vector<128x1024xf32>
    %slice3A_444 = vector.extract_strided_slice %div3A_438 {offsets = [384, 0], sizes = [128, 1024], strides = [1, 1]} : vector<1024x1024xf32> to vector<128x1024xf32>
    %add3A_445 = arith.addf %add3A_443, %slice3A_444 : vector<128x1024xf32>
    %slice3A_446 = vector.extract_strided_slice %div3A_438 {offsets = [512, 0], sizes = [128, 1024], strides = [1, 1]} : vector<1024x1024xf32> to vector<128x1024xf32>
    %add3A_447 = arith.addf %add3A_445, %slice3A_446 : vector<128x1024xf32>
    %slice3A_448 = vector.extract_strided_slice %div3A_438 {offsets = [640, 0], sizes = [128, 1024], strides = [1, 1]} : vector<1024x1024xf32> to vector<128x1024xf32>
    %add3A_449 = arith.addf %add3A_447, %slice3A_448 : vector<128x1024xf32>
    %slice3A_450 = vector.extract_strided_slice %div3A_438 {offsets = [768, 0], sizes = [128, 1024], strides = [1, 1]} : vector<1024x1024xf32> to vector<128x1024xf32>
    %add3A_451 = arith.addf %add3A_449, %slice3A_450 : vector<128x1024xf32>
    %slice3A_452 = vector.extract_strided_slice %div3A_438 {offsets = [896, 0], sizes = [128, 1024], strides = [1, 1]} : vector<1024x1024xf32> to vector<128x1024xf32>
    %add3A_453 = arith.addf %add3A_451, %slice3A_452 : vector<128x1024xf32>
    %slice3A_454 = vector.extract_strided_slice %add3A_453 {offsets = [0, 0], sizes = [8, 1024], strides = [1, 1]} : vector<128x1024xf32> to vector<8x1024xf32>
    %slice3A_455 = vector.extract_strided_slice %add3A_453 {offsets = [8, 0], sizes = [8, 1024], strides = [1, 1]} : vector<128x1024xf32> to vector<8x1024xf32>
    %add3A_456 = arith.addf %slice3A_454, %slice3A_455 : vector<8x1024xf32>
    %slice3A_457 = vector.extract_strided_slice %add3A_453 {offsets = [16, 0], sizes = [8, 1024], strides = [1, 1]} : vector<128x1024xf32> to vector<8x1024xf32>
    %add3A_458 = arith.addf %add3A_456, %slice3A_457 : vector<8x1024xf32>
    %slice3A_459 = vector.extract_strided_slice %add3A_453 {offsets = [24, 0], sizes = [8, 1024], strides = [1, 1]} : vector<128x1024xf32> to vector<8x1024xf32>
    %add3A_460 = arith.addf %add3A_458, %slice3A_459 : vector<8x1024xf32>
    %slice3A_461 = vector.extract_strided_slice %add3A_453 {offsets = [32, 0], sizes = [8, 1024], strides = [1, 1]} : vector<128x1024xf32> to vector<8x1024xf32>
    %add3A_462 = arith.addf %add3A_460, %slice3A_461 : vector<8x1024xf32>
    %slice3A_463 = vector.extract_strided_slice %add3A_453 {offsets = [40, 0], sizes = [8, 1024], strides = [1, 1]} : vector<128x1024xf32> to vector<8x1024xf32>
    %add3A_464 = arith.addf %add3A_462, %slice3A_463 : vector<8x1024xf32>
    %slice3A_465 = vector.extract_strided_slice %add3A_453 {offsets = [48, 0], sizes = [8, 1024], strides = [1, 1]} : vector<128x1024xf32> to vector<8x1024xf32>
    %add3A_466 = arith.addf %add3A_464, %slice3A_465 : vector<8x1024xf32>
    %slice3A_467 = vector.extract_strided_slice %add3A_453 {offsets = [56, 0], sizes = [8, 1024], strides = [1, 1]} : vector<128x1024xf32> to vector<8x1024xf32>
    %add3A_468 = arith.addf %add3A_466, %slice3A_467 : vector<8x1024xf32>
    %slice3A_469 = vector.extract_strided_slice %add3A_453 {offsets = [64, 0], sizes = [8, 1024], strides = [1, 1]} : vector<128x1024xf32> to vector<8x1024xf32>
    %add3A_470 = arith.addf %add3A_468, %slice3A_469 : vector<8x1024xf32>
    %slice3A_471 = vector.extract_strided_slice %add3A_453 {offsets = [72, 0], sizes = [8, 1024], strides = [1, 1]} : vector<128x1024xf32> to vector<8x1024xf32>
    %add3A_472 = arith.addf %add3A_470, %slice3A_471 : vector<8x1024xf32>
    %slice3A_473 = vector.extract_strided_slice %add3A_453 {offsets = [80, 0], sizes = [8, 1024], strides = [1, 1]} : vector<128x1024xf32> to vector<8x1024xf32>
    %add3A_474 = arith.addf %add3A_472, %slice3A_473 : vector<8x1024xf32>
    %slice3A_475 = vector.extract_strided_slice %add3A_453 {offsets = [88, 0], sizes = [8, 1024], strides = [1, 1]} : vector<128x1024xf32> to vector<8x1024xf32>
    %add3A_476 = arith.addf %add3A_474, %slice3A_475 : vector<8x1024xf32>
    %slice3A_477 = vector.extract_strided_slice %add3A_453 {offsets = [96, 0], sizes = [8, 1024], strides = [1, 1]} : vector<128x1024xf32> to vector<8x1024xf32>
    %add3A_478 = arith.addf %add3A_476, %slice3A_477 : vector<8x1024xf32>
    %slice3A_479 = vector.extract_strided_slice %add3A_453 {offsets = [104, 0], sizes = [8, 1024], strides = [1, 1]} : vector<128x1024xf32> to vector<8x1024xf32>
    %add3A_480 = arith.addf %add3A_478, %slice3A_479 : vector<8x1024xf32>
    %slice3A_481 = vector.extract_strided_slice %add3A_453 {offsets = [112, 0], sizes = [8, 1024], strides = [1, 1]} : vector<128x1024xf32> to vector<8x1024xf32>
    %add3A_482 = arith.addf %add3A_480, %slice3A_481 : vector<8x1024xf32>
    %slice3A_483 = vector.extract_strided_slice %add3A_453 {offsets = [120, 0], sizes = [8, 1024], strides = [1, 1]} : vector<128x1024xf32> to vector<8x1024xf32>
    %add3A_484 = arith.addf %add3A_482, %slice3A_483 : vector<8x1024xf32>
    %slice3A_485 = vector.extract_strided_slice %add3A_484 {offsets = [0, 0], sizes = [1, 1024], strides = [1, 1]} : vector<8x1024xf32> to vector<1x1024xf32>
    %slice3A_486 = vector.extract_strided_slice %add3A_484 {offsets = [4, 0], sizes = [1, 1024], strides = [1, 1]} : vector<8x1024xf32> to vector<1x1024xf32>
    %add3A_487 = arith.addf %slice3A_485, %slice3A_486 : vector<1x1024xf32>
    %slice3A_488 = vector.extract_strided_slice %add3A_484 {offsets = [2, 0], sizes = [1, 1024], strides = [1, 1]} : vector<8x1024xf32> to vector<1x1024xf32>
    %slice3A_489 = vector.extract_strided_slice %add3A_484 {offsets = [6, 0], sizes = [1, 1024], strides = [1, 1]} : vector<8x1024xf32> to vector<1x1024xf32>
    %add3A_490 = arith.addf %slice3A_488, %slice3A_489 : vector<1x1024xf32>
    %slice3A_491 = vector.extract_strided_slice %add3A_484 {offsets = [1, 0], sizes = [1, 1024], strides = [1, 1]} : vector<8x1024xf32> to vector<1x1024xf32>
    %slice3A_492 = vector.extract_strided_slice %add3A_484 {offsets = [5, 0], sizes = [1, 1024], strides = [1, 1]} : vector<8x1024xf32> to vector<1x1024xf32>
    %add3A_493 = arith.addf %slice3A_491, %slice3A_492 : vector<1x1024xf32>
    %slice3A_494 = vector.extract_strided_slice %add3A_484 {offsets = [3, 0], sizes = [1, 1024], strides = [1, 1]} : vector<8x1024xf32> to vector<1x1024xf32>
    %slice3A_495 = vector.extract_strided_slice %add3A_484 {offsets = [7, 0], sizes = [1, 1024], strides = [1, 1]} : vector<8x1024xf32> to vector<1x1024xf32>
    %add3A_496 = arith.addf %slice3A_494, %slice3A_495 : vector<1x1024xf32>
    %add3A_497 = arith.addf %add3A_487, %add3A_490 : vector<1x1024xf32>
    %add3A_498 = arith.addf %add3A_493, %add3A_496 : vector<1x1024xf32>
    %add3A_499 = arith.addf %add3A_497, %add3A_498 : vector<1x1024xf32>
    %eq3A_500 = arith.constant 0 : i32
    %eq3A_501 = arith.cmpi eq, %arg0, %eq3A_500 : i32
    %convert_element_type3A_502 = arith.extui %eq3A_501 : i1 to i32
    %cond3A_503 = arith.constant 0 : i32
    %cond3A_504 = arith.cmpi ne, %convert_element_type3A_502, %cond3A_503 : i32
    scf.if %cond3A_504 {
      %swap3A_514 = arith.constant 0 : index
      %swap3A_515 = arith.constant 0 : index
      %swap3A_516 = vector.load %arg4[%swap3A_514, %swap3A_515] : memref<1x1024xf32, #tpu.memory_space<vmem>>, vector<1x1024xf32>
      tpu.vector_store %arg4[%swap3A_514, %swap3A_515], %add3A_499 {strides = array<i32>} : memref<1x1024xf32, #tpu.memory_space<vmem>>, vector<1x1024xf32>,
    } else {
    }
    %ne3A = arith.constant 0 : i32
    %ne3A_505 = arith.cmpi ne, %arg0, %ne3A : i32
    %convert_element_type3A_506 = arith.extui %ne3A_505 : i1 to i32
    %cond3A_507 = arith.constant 0 : i32
    %cond3A_508 = arith.cmpi ne, %convert_element_type3A_506, %cond3A_507 : i32
    scf.if %cond3A_508 {
      %get3A_514 = arith.constant 0 : index
      %get3A_515 = arith.constant 0 : index
      %get3A_516 = vector.load %arg4[%get3A_514, %get3A_515] : memref<1x1024xf32, #tpu.memory_space<vmem>>, vector<1x1024xf32>
      %add3A_517 = arith.addf %get3A_516, %add3A_499 : vector<1x1024xf32>
      %swap3A_518 = arith.constant 0 : index
      %swap3A_519 = arith.constant 0 : index
      %swap3A_520 = vector.load %arg4[%swap3A_518, %swap3A_519] : memref<1x1024xf32, #tpu.memory_space<vmem>>, vector<1x1024xf32>
      tpu.vector_store %arg4[%swap3A_518, %swap3A_519], %add3A_517 {strides = array<i32>} : memref<1x1024xf32, #tpu.memory_space<vmem>>, vector<1x1024xf32>,
    } else {
    }
    %eq3A_509 = arith.constant 63 : i32
    %eq3A_510 = arith.cmpi eq, %arg0, %eq3A_509 : i32
    %convert_element_type3A_511 = arith.extui %eq3A_510 : i1 to i32
    %cond3A_512 = arith.constant 0 : i32
    %cond3A_513 = arith.cmpi ne, %convert_element_type3A_511, %cond3A_512 : i32
    scf.if %cond3A_513 {
      %get3A_514 = arith.constant 0 : index
      %get3A_515 = memref.load %arg9[%get3A_514] : memref<1xf32, #tpu.memory_space<smem>>
      %swap3A_516 = arith.constant 0 : index
      %swap3A_517 = arith.constant 0 : index
      %swap3A_518 = memref.load %arg5[%swap3A_516, %swap3A_517] : memref<1x1xf32, #tpu.memory_space<smem>>
      memref.store %get3A_515, %arg5[%swap3A_516, %swap3A_517] : memref<1x1xf32, #tpu.memory_space<smem>>
    } else {
    }
    return
  }
  func.func @transform_0(%arg0: i32) -> (i32, i32) {
    %c0_i32 = arith.constant 0 : i32
    %c0_i32_0 = arith.constant 0 : i32
    return %arg0, %c0_i32 : i32, i32
  }
  func.func @transform_1(%arg0: i32) -> (i32, i32) {
    %c0_i32 = arith.constant 0 : i32
    %c0_i32_0 = arith.constant 0 : i32
    %c0_i32_1 = arith.constant 0 : i32
    return %c0_i32, %c0_i32_0 : i32, i32
  }
  func.func @transform_2(%arg0: i32) -> (i32, i32, i32) {
    %c0_i32 = arith.constant 0 : i32
    %c0_i32_0 = arith.constant 0 : i32
    %c0_i32_1 = arith.constant 0 : i32
    return %arg0, %c0_i32, %c0_i32_0 : i32, i32, i32
  }
  func.func @transform_3(%arg0: i32) -> (i32, i32) {
    %c0_i32 = arith.constant 0 : i32
    %c0_i32_0 = arith.constant 0 : i32
    %c0_i32_1 = arith.constant 0 : i32
    return %c0_i32, %c0_i32_0 : i32, i32
  }
  func.func @transform_4(%arg0: i32) -> (i32, i32) {
    %c0_i32 = arith.constant 0 : i32
    %c0_i32_0 = arith.constant 0 : i32
    %c0_i32_1 = arith.constant 0 : i32
    return %c0_i32, %c0_i32_0 : i32, i32
  }
}

</mosaic_0001>

<sc_bundles>
// kernel: kernel.4.cloned.1.call-start
scs
__scs_entry_jumppad:
0x0: {  	(pc) =	sbr.rel $0x88, $3  }
0x1: {  	(tag) =	ssettag $0x0;
	lr =	simm.s32 $0x1  }
0x2: {  	[smem:$0x3F9F] =	sst lr;
	_ =	strace $0xD0000000  }
0x3: {  	_ = 	snop  }
0x4: {  	_ = 	snop  }
0x5: {  	_ = 	snop  }
0x6: {  	_ = 	snop  }
0x7: {  	_ = 	snop  }
__scs_overlays_trampoline_lowered:
0x8: {  	[smem:$0x3FAE] =	sst s0  }
0x9: {  	[smem:$0x3FAF] =	sst s1  }
0xa: {  	[smem:$0x3FB0] =	sst s2  }
0xb: {  	[smem:$0x3FB1] =	sst s3  }
0xc: {  	[smem:$0x3FB2] =	sst s4  }
0xd: {  	[smem:$0x3FB3] =	sst s5  }
0xe: {  	[smem:$0x3FB4] =	sst s6  }
0xf: {  	[smem:$0x3FB5] =	sst s7  }
0x10: {  	[smem:$0x3FB6] =	sst s8  }
0x11: {  	[smem:$0x3FB7] =	sst s9;
	s0 =	simm.s32 @!p0 $0x0  }
0x12: {  	s1 =	sld [smem:$0x3F9D];
	s0 =	simm.s32 @p0 $0x1  }
0x13: {  	[smem:$0x3FB8] =	sst s0;
	s0 =	simm.s32 @!p1 $0x0  }
0x14: {  	s2 =	sld [smem:$0x3F9C];
	s0 =	simm.s32 @p1 $0x1  }
0x15: {  	[smem:$0x3FB9] =	sst s0;
	s0 =	simm.s32 @!p2 $0x0  }
0x16: {  	s3 =	sld [smem:$0x3FDB];
	s0 =	simm.s32 @p2 $0x1  }
0x17: {  	s4 =	simm.s32 $0x1BF5;
	[smem:$0x3FBB] =	sst s0  }
0x18: {  	s0 =	sld [smem:$0x3F9E];
	_ =	swait.ge [sflag:s4], $0x0  }
0x19: {  	s7 =	sld [smem:$0x3F9F]  }
0x1a: {  	s8 =	sadd.s32 $0xFFFFE003, lr  }
0x1b: {  	s9 =	sadd.s32 $0xFFFFFEF7, lr;
	s5 =	simm.s32 $0xFFFFFFFF;
	p2 =	slt.u32 s8, $0xFFFFF086  }
0x1c: {  	p1 =	slt.u32 s9, $0xF7A;
	s5 =	simm.s32 @!p2 $0x0  }
0x1d: {  	s5 =	simm.s32 @p1 $0x1;
	p0 =	seq.s32 s7, s2  }
0x1e: {  	s7 =	smul.u32 @!p0 $0xF7A, s2;
	p2 =	seq.s32 @!p0 s5, $0x0  }
0x1f: {  	s9 =	smul.u32 $0xF7A, s1;
	s8 =	simm.s32 @!p0 $0x1BF5;
	p2 =	por !p2, p0  }
0x20: {  	[sflag:s8] =	ssyncset.s32 @!p0 $0xFFFFF086;
	s6 =	sadd.s32 @!p0 s3, s7;
	s7 =	simm.s32 @!p0 $0x108  }
0x21: {  	s3 =	sadd.s32 s3, s9;
	s6 =	sadd.s32 @!p0 $0x88, s6;
	s7 =	simm.s32 @p2 $0x1082  }
0x22: {  	[simem:s7], [sflag:s8] =	dma.local @!p0 [hbm:s6], $0xF7A  }
0x23: {  	s9 =	sor.u32 $0xD0000000, s2;
	s6 =	simm.s32 $0x108;
	_ =	swait.ge @!p0 [sflag:s8], $0x0  }
0x24: {  	s3 =	sadd.s32 $0x88, s3;
	s6 =	simm.s32 @!p1 $0x1082;
	[sflag:s4] =	ssyncset.s32 $0xFFFFF086  }
0x25: {  	[simem:s6], [sflag:s4] =	dma.local [hbm:s3], $0xF7A  }
0x26: {  	[smem:$0x3F9F] =	sst s1;
	(tag) =	ssettag s2;
	_ =	strace s9  }
0x27: {  	s1 =	sld [smem:$0x3FAF]  }
0x28: {  	s2 =	sld [smem:$0x3FB0]  }
0x29: {  	s4 =	sld [smem:$0x3FB2]  }
0x2a: {  	p0 =	seq.s32 s5, $0x0;
	s5 =	sld [smem:$0x3FB3]  }
0x2b: {  	s6 =	sld [smem:$0x3FB4]  }
0x2c: {  	s7 =	sld [smem:$0x3FB5]  }
0x2d: {  	s3 =	simm.s32 $0x108;
	s8 =	sld [smem:$0x3FB6]  }
0x2e: {  	s3 =	simm.s32 @!p0 $0x1082;
	s9 =	sld [smem:$0x3FB7]  }
0x2f: {  	lr =	sadd.s32 s0, s3;
	s0 =	sld [smem:$0x3FAE]  }
0x30: {  	s3 =	sld [smem:$0x3FB1]  }
0x31: {  	[smem:$0x3FBA] =	sst s10  }
0x32: {  	s10 =	sld [smem:$0x3FB8];
	_ =	sdelay $0x3  }
0x33: {  	p0 =	seq.s32 s10, $0x1;
	s10 =	sld [smem:$0x3FBA];
	_ =	sdelay $0x3  }
0x34: {  	[smem:$0x3FBA] =	sst s10  }
0x35: {  	s10 =	sld [smem:$0x3FB9];
	_ =	sdelay $0x3  }
0x36: {  	p1 =	seq.s32 s10, $0x1;
	s10 =	sld [smem:$0x3FBA];
	_ =	sdelay $0x3  }
0x37: {  	[smem:$0x3FBA] =	sst s10  }
0x38: {  	s10 =	sld [smem:$0x3FBB]  }
0x39: {  	_ = 	snop;
	(pc) =	sbr.ind lr, $3  }
0x3a: {  	_ = 	snop  }
0x3b: {  	_ = 	snop  }
0x3c: {  	p2 =	seq.s32 s10, $0x1;
	s10 =	sld [smem:$0x3FBA]  }
0x3d: {  	_ =	shalt  }
0x3e: {  	_ =	shalt  }
0x3f: {  	_ =	shalt  }
0x40: {  	_ =	shalt  }
0x41: {  	_ =	shalt  }
0x42: {  	_ =	shalt  }
0x43: {  	_ =	shalt  }
0x44: {  	_ =	shalt  }
0x45: {  	_ =	shalt  }
0x46: {  	_ =	shalt  }
0x47: {  	_ =	shalt  }
0x48: {  	_ =	shalt  }
0x49: {  	_ =	shalt  }
0x4a: {  	_ =	shalt  }
0x4b: {  	_ =	shalt  }
0x4c: {  	_ =	shalt  }
0x4d: {  	_ =	shalt  }
0x4e: {  	_ =	shalt  }
0x4f: {  	_ =	shalt  }
0x50: {  	_ =	shalt  }
0x51: {  	_ =	shalt  }
0x52: {  	_ =	shalt  }
0x53: {  	_ =	shalt  }
0x54: {  	_ =	shalt  }
0x55: {  	_ =	shalt  }
0x56: {  	_ =	shalt  }
0x57: {  	_ =	shalt  }
0x58: {  	_ =	shalt  }
0x59: {  	_ =	shalt  }
0x5a: {  	_ =	shalt  }
0x5b: {  	_ =	shalt  }
0x5c: {  	_ =	shalt  }
0x5d: {  	_ =	shalt  }
0x5e: {  	_ =	shalt  }
0x5f: {  	_ =	shalt  }
0x60: {  	_ =	shalt  }
0x61: {  	_ =	shalt  }
0x62: {  	_ =	shalt  }
0x63: {  	_ =	shalt  }
0x64: {  	_ =	shalt  }
0x65: {  	_ =	shalt  }
0x66: {  	_ =	shalt  }
0x67: {  	_ =	shalt  }
0x68: {  	_ =	shalt  }
0x69: {  	_ =	shalt  }
0x6a: {  	_ =	shalt  }
0x6b: {  	_ =	shalt  }
0x6c: {  	_ =	shalt  }
0x6d: {  	_ =	shalt  }
0x6e: {  	_ =	shalt  }
0x6f: {  	_ =	shalt  }
0x70: {  	_ =	shalt  }
0x71: {  	_ =	shalt  }
0x72: {  	_ =	shalt  }
0x73: {  	_ =	shalt  }
0x74: {  	_ =	shalt  }
0x75: {  	_ =	shalt  }
0x76: {  	_ =	shalt  }
0x77: {  	_ =	shalt  }
0x78: {  	_ =	shalt  }
0x79: {  	_ =	shalt  }
0x7a: {  	_ =	shalt  }
0x7b: {  	_ =	shalt  }
0x7c: {  	_ =	shalt  }
0x7d: {  	_ =	shalt  }
0x7e: {  	_ =	shalt  }
0x7f: {  	_ =	shalt  }
0x80: {  	_ =	shalt  }
0x81: {  	_ =	shalt  }
0x82: {  	_ =	shalt  }
0x83: {  	_ =	shalt  }
0x84: {  	_ =	shalt  }
0x85: {  	_ =	shalt  }
0x86: {  	_ =	shalt  }
0x87: {  	_ =	shalt  }
.Lfunc_end0:
.L_simem_size_0:
called_computation_lowered:
.L_overlay_start_0:
0x88: {  	s2 =	sld [smem:$0x3FD9]  }
0x89: {  	s3 =	sld [smem:$0x3FFE];
	_ =	sdelay $0x1  }
0x8a: {  	s1 =	srdreg.scid  }
0x8b: {  	s0 =	sand.u32 $0x1, s1  }
0x8c: {  	s15 =	sshll.u32 s0, $0xA;
	s2 =	sadd.s32 s3, s2  }
0x8d: {  	s2 =	sadd.s32 s2, s15  }
0x8e: {  	[smem:$0x3FC6] =	sst s2  }
0x8f: {  	_ = 	snop  }
0x90: {  	s2 =	sld [smem:$0x3FD0];
	_ =	sdelay $0x2  }
0x91: {  	s4 =	simm.s32 $0xA;
	s5 =	simm.s32 $0x10;
	s16 =	sld [smem:$0x3FC8]  }
0x92: {  	[smem:s5], [sflag:s4] =	dma.local [hbm:s2], $0x1  }
0x93: {  	_ =	swait.eq [sflag:s4], $0x1  }
0x94: {  	[sflag:s4] =	ssyncset.done $0x0  }
0x95: {  	s17 =	sld [smem:$0x10];
	[sflag:s4] =	ssyncadd.s32 $0xFFFFFFFF  }
0x96: {  	s18 =	sld [smem:$0x14];
	(tm) =	ssettm $0x1  }
0x97: {  	s19 =	sld [smem:$0x3FFB];
	_ =	sdelay $0x3  }
0x98: {  	_ =	strace s19  }
0x99: {  	s5 =	sld [smem:$0x3FFC];
	_ =	sdelay $0x3  }
0x9a: {  	_ =	strace s5  }
0x9b: {  	s5 =	sld [smem:$0x3FFD];
	_ =	sdelay $0x3  }
0x9c: {  	_ =	strace s5  }
0x9d: {  	_ =	strace $0x8FFFFFFF  }
0x9e: {  	s20 =	sld [smem:$0x3FDB];
	_ =	sdelay $0x1  }
0x9f: {  	s6 =	simm.s32 $_scs_section_size  }
0xa0: {  	s7 =	simm.s32 $_size__tile_overlayer_lowered;
	s8 =	simm.s32 $_tile_overlayer_lowered  }
0xa1: {  	s23 =	simm.s32 $0x1BFF;
	s22 =	sshll.u32 s8, $0x1;
	s5 =	sadd.s32 s6, s20  }
0xa2: {  	s9 =	simm.s32 $0x0;
	s21 =	sshll.u32 s7, $0x1;
	s7 =	sadd.s32 s22, s5  }
0xa3: {  	[timem:s9], [sflag:s23] =	dma.local [hbm:s7], s21  }
0xa4: {  	_ =	swait.ge [sflag:s23], s21  }
0xa5: {  	s6 =	ssub.s32 $0x0, s21;
	[sflag:s23] =	ssyncset.done $0x0  }
0xa6: {  	[sflag:s23] =	ssyncadd.s32 s6;
	_ =	sdelay $0x1  }
0xa7: {  	s24 =	simm.s32 $0x1B8B  }
0xa8: {  	_ =	swait.ge [sflag:s24], $0x1  }
0xa9: {  	[sflag:s24] =	ssyncset.done $0x0  }
0xaa: {  	s25 =	simm.s32 $0x1B8E;
	[sflag:s24] =	ssyncadd.s32 $0xFFFFFFFF  }
0xab: {  	s26 =	simm.s32 $execute0_lowered;
	[smem:$0x3FD2] =	sst s25  }
0xac: {  	s6 =	sshll.u32 s26, $0x1;
	_ =	strace $0x80000046;
	[dreg:$0x1] =	wrdreg $0xFFFFFFFF  }
0xad: {  	s28 =	simm.s32 $_size_execute0_lowered;
	s5 =	sadd.s32 s5, s6;
	[dreg:$0x0] =	wrdreg $0x0  }
0xae: {  	s6 =	sshll.u32 s28, $0x1;
	[dreg:$0x2] =	wrdreg s5  }
0xaf: {  	[dreg:$0x3] =	wrdreg s6  }
0xb0: {  	[dreg:$0x4] =	wrdreg $0xC0  }
0xb1: {  	_ =	task [dreg:s9], $0x5FFFF  }
0xb2: {  	[dreg:$0x1] =	wrdreg $0xFFFFFFFF  }
0xb3: {  	[dreg:$0x0] =	wrdreg $0x60  }
0xb4: {  	[dreg:$0x2] =	wrdreg s16  }
0xb5: {  	[dreg:$0x3] =	wrdreg s18  }
0xb6: {  	[dreg:$0x4] =	wrdreg s17  }
0xb7: {  	[dreg:$0x5] =	wrdreg $0x9  }
0xb8: {  	_ =	task.clear_ibuf [dreg:s9], $0x6FFFF;
	_ =	strace $0x90000046  }
0xb9: {  	s29 =	simm.s32 $0x9;
	_ =	strace $0x80000048  }
0xba: {  	_ =	swait.ge [sflag:s29], $0x1  }
0xbb: {  	[sflag:s29] =	ssyncadd.s32 $0xFFFFFFFF  }
0xbc: {  	_ =	strace $0x90000048  }
0xbd: {  	_ =	sfence  }
0xbe: {  	s30 =	sld [smem:$0x0];
	_ =	sdelay $0x2  }
0xbf: {  	s31 =	sshll.u32 s1, $0xD;
	s1 =	sshrl.u32 s1, $0x2  }
0xc0: {  	s3 =	sand.u32 $0x4000, s31;
	s1 =	sadd.s32 s1, s30  }
0xc1: {  	s0 =	sor.u32 s3, s0;
	s1 =	sshll.u32 s1, $0x11  }
0xc2: {  	s0 =	sor.u32 s1, s0  }
0xc3: {  	s0 =	sadd.s32 $0x8F2B, s0  }
0xc4: {  	[sflag:s0] =	ssyncadd.remote.s32 $0x1  }
0xc5: {  	_ =	sfence.sel $0xFFFF  }
0xc6: {  	[dreg:$0x0] =	wrdreg $0xFFFFFFFF;
	(pc) =	sbr.abs _section_cstart, $3  }
0xc7: {  	[dreg:$0x1] =	wrdreg $0xFFFFFFFF  }
0xc8: {  	_ =	task.clear_ibuf [dreg:s9], $0x2FFFF;
	_ =	strace $0x9FFFFFFF  }
0xc9: {  	(tm) =	ssettm $0x7FFFFFFF  }
tec
execute0_lowered:
.L_overlay_start_1:
0x0: {  	(tag) =	ssettag $0x1  }
0x1: {  	s1 =	rddreg [dreg:$0x0];
	s2 =	srdreg.scid  }
0x2: {  	s13 =	rddreg [dreg:$0x1];
	s0 =	stileid.u32;
	s15 =	sand.u32 $0x1, s2  }
0x3: {  	s14 =	rddreg [dreg:$0x2];
	s4 =	sshll.u32 s0, $0xC;
	s5 =	sshll.u32 s15, $0xB  }
0x4: {  	s3 =	simm.s32 $0x0;
	s2 =	rddreg [dreg:$0x3];
	s16 =	sor.u32 s5, s4  }
0x5: {  	[smem:$0x7FF] =	sst s3;
	s4 =	sshrl.u32 s16, $0x3  }
0x6: {  	_ =	strace $0x80000047;
	s5 =	sadd.s32 s13, s4;
	s4 =	simm.s32 $0x2  }
0x7: {  	[tilespmem:s3], [sflag:$0x2] =	stream.linear.gather [hbm4b:s5+s3], $0x200, $0x38;
	[tilespmem:$0x10200] =	vst v63  }
0x8: {  	_ =	swait.ge [sflag:s4], $0x200  }
0x9: {  	[sflag:s4] =	ssyncset.done $0x0  }
0xa: {  	s6 =	simm.s32 $0x200;
	s7 =	simm.s32 $0x1;
	[sflag:s4] =	ssyncadd.s32 $0xFFFFFE00  }
0xb: {  	[tilespmem:s6], [sflag:$0x1] =	stream.indirect.gather [hbm4b:s1+s6], $0x80, s3, s6, $0xb8;
	[tilespmem:$0x10200] =	vst v63  }
0xc: {  	_ =	swait.ge [sflag:s7], $0x10000  }
0xd: {  	s8 =	sshll.u32 s16, $0x4;
	[sflag:s7] =	ssyncset.done $0x0  }
0xe: {  	s8 =	sadd.s32 s14, s8;
	[sflag:s7] =	ssyncadd.s32 $0xFFFF0000  }
0xf: {  	[hbm4b:s8+s3] =	stream.linear.scatter [tilespmem:s6], [sflag:$0x2], $0x10000, $0x38;
	[tilespmem:$0x10200] =	vst v63  }
0x10: {  	s10 =	sor.u32 $0x200, s16;
	_ =	swait.ge [sflag:s4], $0x10000  }
0x11: {  	s9 =	sshrl.u32 s10, $0x3;
	[sflag:s4] =	ssyncset.done $0x0  }
0x12: {  	s9 =	sadd.s32 s13, s9;
	[sflag:s4] =	ssyncadd.s32 $0xFFFF0000  }
0x13: {  	[tilespmem:s3], [sflag:$0x2] =	stream.linear.gather [hbm4b:s9+s3], $0x200, $0x38;
	[tilespmem:$0x10200] =	vst v63  }
0x14: {  	_ =	swait.ge [sflag:s4], $0x200  }
0x15: {  	[sflag:s4] =	ssyncset.done $0x0  }
0x16: {  	[sflag:s4] =	ssyncadd.s32 $0xFFFFFE00  }
0x17: {  	[tilespmem:s6], [sflag:$0x1] =	stream.indirect.gather [hbm4b:s1+s6], $0x80, s3, s6, $0xb8;
	[tilespmem:$0x10200] =	vst v63  }
0x18: {  	_ =	swait.ge [sflag:s7], $0x10000  }
0x19: {  	s10 =	sshll.u32 s10, $0x4;
	[sflag:s7] =	ssyncset.done $0x0  }
0x1a: {  	s10 =	sadd.s32 s14, s10;
	[sflag:s7] =	ssyncadd.s32 $0xFFFF0000  }
0x1b: {  	[hbm4b:s10+s3] =	stream.linear.scatter [tilespmem:s6], [sflag:$0x2], $0x10000, $0x38;
	[tilespmem:$0x10200] =	vst v63  }
0x1c: {  	s12 =	sor.u32 $0x400, s16;
	_ =	swait.ge [sflag:s4], $0x10000  }
0x1d: {  	s11 =	sshrl.u32 s12, $0x3;
	[sflag:s4] =	ssyncset.done $0x0  }
0x1e: {  	s11 =	sadd.s32 s13, s11;
	[sflag:s4] =	ssyncadd.s32 $0xFFFF0000  }
0x1f: {  	[tilespmem:s3], [sflag:$0x2] =	stream.linear.gather [hbm4b:s11+s3], $0x200, $0x38;
	[tilespmem:$0x10200] =	vst v63  }
0x20: {  	_ =	swait.ge [sflag:s4], $0x200  }
0x21: {  	[sflag:s4] =	ssyncset.done $0x0  }
0x22: {  	[sflag:s4] =	ssyncadd.s32 $0xFFFFFE00  }
0x23: {  	[tilespmem:s6], [sflag:$0x1] =	stream.indirect.gather [hbm4b:s1+s6], $0x80, s3, s6, $0xb8;
	[tilespmem:$0x10200] =	vst v63  }
0x24: {  	_ =	swait.ge [sflag:s7], $0x10000  }
0x25: {  	s12 =	sshll.u32 s12, $0x4;
	[sflag:s7] =	ssyncset.done $0x0  }
0x26: {  	s12 =	sadd.s32 s14, s12;
	[sflag:s7] =	ssyncadd.s32 $0xFFFF0000  }
0x27: {  	[hbm4b:s12+s3] =	stream.linear.scatter [tilespmem:s6], [sflag:$0x2], $0x10000, $0x38;
	[tilespmem:$0x10200] =	vst v63  }
0x28: {  	s16 =	sor.u32 $0x600, s16;
	_ =	swait.ge [sflag:s4], $0x10000  }
0x29: {  	s17 =	sshrl.u32 s16, $0x3;
	[sflag:s4] =	ssyncset.done $0x0  }
0x2a: {  	s15 =	ssub.s32 $0x2, s15;
	s13 =	sadd.s32 s13, s17;
	[sflag:s4] =	ssyncadd.s32 $0xFFFF0000  }
0x2b: {  	[tilespmem:s3], [sflag:$0x2] =	stream.linear.gather [hbm4b:s13+s3], $0x200, $0x38;
	[tilespmem:$0x10200] =	vst v63  }
0x2c: {  	s31 =	sshrl.u32 s15, $0x1;
	_ =	swait.ge [sflag:s4], $0x200  }
0x2d: {  	s15 =	ssub.s32 s15, s31;
	[sflag:s4] =	ssyncset.done $0x0  }
0x2e: {  	s15 =	smax.u32 s15, $0x1;
	[sflag:s4] =	ssyncadd.s32 $0xFFFFFE00  }
0x2f: {  	[tilespmem:s6], [sflag:$0x1] =	stream.indirect.gather [hbm4b:s1+s6], $0x80, s3, s6, $0xb8;
	[tilespmem:$0x10200] =	vst v63  }
0x30: {  	p0 =	sne.s32 s15, $0x1;
	_ =	swait.ge [sflag:s7], $0x10000  }
.Ltmp0:
0x31: {  	s16 =	sshll.u32 s16, $0x4;
	[sflag:s7] =	ssyncset.done $0x0;
	(pc) =	sbr.rel @!p0 .LBB2_2-.Ltmp0, $4  }
0x32: {  	s14 =	sadd.s32 s14, s16;
	[sflag:s7] =	ssyncadd.s32 $0xFFFF0000  }
0x33: {  	[hbm4b:s14+s3] =	stream.linear.scatter [tilespmem:s6], [sflag:$0x2], $0x10000, $0x38;
	[tilespmem:$0x10200] =	vst v63  }
0x34: {  	_ =	swait.ge [sflag:s4], $0x10000  }
0x35: {  	s15 =	sadd.s32 $0xFFFFFFFF, s15;
	[sflag:s4] =	ssyncset.done $0x0  }
.LBB2_1:
0x36: {  	p0 =	sne.s32 s15, $0x1;
	s15 =	sadd.s32 $0xFFFFFFFF, s15;
	[sflag:s4] =	ssyncadd.s32 $0xFFFF0000  }
0x37: {  	[tilespmem:s3], [sflag:$0x2] =	stream.linear.gather [hbm4b:s5+s3], $0x200, $0x38;
	[tilespmem:$0x10200] =	vst v63  }
0x38: {  	_ =	swait.ge [sflag:s4], $0x200  }
0x39: {  	[sflag:s4] =	ssyncset.done $0x0  }
0x3a: {  	[sflag:s4] =	ssyncadd.s32 $0xFFFFFE00  }
0x3b: {  	[tilespmem:s6], [sflag:$0x1] =	stream.indirect.gather [hbm4b:s1+s6], $0x80, s3, s6, $0xb8;
	[tilespmem:$0x10200] =	vst v63  }
0x3c: {  	_ =	swait.ge [sflag:s7], $0x10000  }
0x3d: {  	[sflag:s7] =	ssyncset.done $0x0  }
0x3e: {  	[sflag:s7] =	ssyncadd.s32 $0xFFFF0000  }
0x3f: {  	[hbm4b:s8+s3] =	stream.linear.scatter [tilespmem:s6], [sflag:$0x2], $0x10000, $0x38;
	[tilespmem:$0x10200] =	vst v63  }
0x40: {  	_ =	swait.ge [sflag:s4], $0x10000  }
0x41: {  	[sflag:s4] =	ssyncset.done $0x0  }
0x42: {  	[sflag:s4] =	ssyncadd.s32 $0xFFFF0000  }
0x43: {  	[tilespmem:s3], [sflag:$0x2] =	stream.linear.gather [hbm4b:s9+s3], $0x200, $0x38;
	[tilespmem:$0x10200] =	vst v63  }
0x44: {  	_ =	swait.ge [sflag:s4], $0x200  }
0x45: {  	[sflag:s4] =	ssyncset.done $0x0  }
0x46: {  	[sflag:s4] =	ssyncadd.s32 $0xFFFFFE00  }
0x47: {  	[tilespmem:s6], [sflag:$0x1] =	stream.indirect.gather [hbm4b:s1+s6], $0x80, s3, s6, $0xb8;
	[tilespmem:$0x10200] =	vst v63  }
0x48: {  	_ =	swait.ge [sflag:s7], $0x10000  }
0x49: {  	[sflag:s7] =	ssyncset.done $0x0  }
0x4a: {  	[sflag:s7] =	ssyncadd.s32 $0xFFFF0000  }
0x4b: {  	[hbm4b:s10+s3] =	stream.linear.scatter [tilespmem:s6], [sflag:$0x2], $0x10000, $0x38;
	[tilespmem:$0x10200] =	vst v63  }
0x4c: {  	_ =	swait.ge [sflag:s4], $0x10000  }
0x4d: {  	[sflag:s4] =	ssyncset.done $0x0  }
0x4e: {  	[sflag:s4] =	ssyncadd.s32 $0xFFFF0000  }
0x4f: {  	[tilespmem:s3], [sflag:$0x2] =	stream.linear.gather [hbm4b:s11+s3], $0x200, $0x38;
	[tilespmem:$0x10200] =	vst v63  }
0x50: {  	_ =	swait.ge [sflag:s4], $0x200  }
0x51: {  	[sflag:s4] =	ssyncset.done $0x0  }
0x52: {  	[sflag:s4] =	ssyncadd.s32 $0xFFFFFE00  }
0x53: {  	[tilespmem:s6], [sflag:$0x1] =	stream.indirect.gather [hbm4b:s1+s6], $0x80, s3, s6, $0xb8;
	[tilespmem:$0x10200] =	vst v63  }
0x54: {  	_ =	swait.ge [sflag:s7], $0x10000  }
0x55: {  	[sflag:s7] =	ssyncset.done $0x0  }
0x56: {  	[sflag:s7] =	ssyncadd.s32 $0xFFFF0000  }
0x57: {  	[hbm4b:s12+s3] =	stream.linear.scatter [tilespmem:s6], [sflag:$0x2], $0x10000, $0x38;
	[tilespmem:$0x10200] =	vst v63  }
0x58: {  	_ =	swait.ge [sflag:s4], $0x10000  }
0x59: {  	[sflag:s4] =	ssyncset.done $0x0  }
0x5a: {  	[sflag:s4] =	ssyncadd.s32 $0xFFFF0000  }
0x5b: {  	[tilespmem:s3], [sflag:$0x2] =	stream.linear.gather [hbm4b:s13+s3], $0x200, $0x38;
	[tilespmem:$0x10200] =	vst v63  }
0x5c: {  	_ =	swait.ge [sflag:s4], $0x200  }
0x5d: {  	[sflag:s4] =	ssyncset.done $0x0  }
0x5e: {  	[sflag:s4] =	ssyncadd.s32 $0xFFFFFE00  }
0x5f: {  	[tilespmem:s6], [sflag:$0x1] =	stream.indirect.gather [hbm4b:s1+s6], $0x80, s3, s6, $0xb8;
	[tilespmem:$0x10200] =	vst v63  }
0x60: {  	_ =	swait.ge [sflag:s7], $0x10000  }
.Ltmp1:
0x61: {  	[sflag:s7] =	ssyncset.done $0x0;
	(pc) =	sbr.rel @p0 .LBB2_1-.Ltmp1, $4  }
0x62: {  	[sflag:s7] =	ssyncadd.s32 $0xFFFF0000  }
0x63: {  	[hbm4b:s14+s3] =	stream.linear.scatter [tilespmem:s6], [sflag:$0x2], $0x10000, $0x38;
	[tilespmem:$0x10200] =	vst v63  }
0x64: {  	_ =	swait.ge [sflag:s4], $0x10000  }
0x65: {  	[sflag:s4] =	ssyncset.done $0x0  }
.LBB2_2:
0x66: {  	[sflag:s4] =	ssyncadd.s32 $0xFFFF0000  }
0x67: {  	_ =	sfence.sel $0x180000  }
0x68: {  	[bflag:$0x0] =	sbarrier.arrive $0xFFFF  }
0x69: {  	p0 =	sne.s32 s0, $0x0;
	_ =	strace $0x90000047  }
0x6a: {  	s0 =	sadd.s32 @!p0 $0x100000, s2;
	[bflag:$0x2] =	sbarrier.arrive $0xFFFF  }
0x6b: {  	[sflag:s0] =	ssyncadd.tile.s32 @!p0 $0x1;
	_ =	shalt  }
.Lfunc_end2:
_tile_overlayer_lowered:
.L_overlay_start_2:
0x6c: {  	(tag) =	ssettag $0x2  }
0x6d: {  	s0 =	rddreg [dreg:$0x0];
	s2 =	stileid.u32  }
0x6e: {  	s1 =	rddreg [dreg:$0x1];
	p0 =	sne.s32 s2, $0x0  }
0x6f: {  	s3 =	rddreg [dreg:$0x2];
	[bflag:$0x3] =	sbarrier.arrive $0xFFFF;
	s2 =	simm.s32 @!p0 $0x1C02  }
0x70: {  	[timem:s3], [sflag:s2] =	dma.local @!p0 [hbm:s0], s1  }
0x71: {  	s0 =	simm.s32 @!p0 $0x2  }
0x72: {  	_ =	swait.ge @!p0 [sflag:s0], s1  }
0x73: {  	s1 =	ssub.s32 @!p0 $0x0, s1;
	[sflag:s0] =	ssyncset.done @!p0 $0x0  }
0x74: {  	[sflag:s0] =	ssyncadd.s32 @!p0 s1  }
0x75: {  	[bflag:$0x3] =	sbarrier.arrive $0xFFFF  }
0x76: {  	_ =	shalt  }

</sc_bundles>
